<compile_context>
chip_gen: v7x
topology: tpu7x:2x2x1
jax: 0.10.2.dev20260603
libtpu: 0.0.44.dev20260713+nightly
codegen_flags: <defaults>
</compile_context>

<pallas_src>
import jax
import jax.numpy as jnp
from jax import lax
from jax.experimental import pallas as pl
from jax.experimental.pallas import tpu as pltpu
from jax.experimental.pallas import tpu_sc as plsc

EMB = 128
NF = 4
NE = 10
NCOMB = NE ** NF
N_PIX = 8 * 256 * 256
NC = 2
NS = 16
NW = NC * NS
ROWS_W = N_PIX // NW
CHUNK = 128
STEPS = ROWS_W // CHUNK
M = N_PIX // 128
MB = 512


def _table_body(tab_ref, out_ref):
    rid = lax.broadcasted_iota(jnp.int32, (NCOMB, 1), 0)
    acc = jnp.zeros((NCOMB, EMB), jnp.float32)
    div = NCOMB // NE
    for f in range(NF):
        sub = (rid // div) % NE
        oh = (sub == lax.broadcasted_iota(jnp.int32, (NCOMB, NE), 1)).astype(jnp.float32)
        t = tab_ref[f]
        hi = t.astype(jnp.bfloat16).astype(jnp.float32)
        acc = acc + jnp.dot(oh, hi, preferred_element_type=jnp.float32)
        acc = acc + jnp.dot(oh, t - hi, preferred_element_type=jnp.float32)
        div //= NE
    out_ref[...] = acc


_table_call = pl.pallas_call(
    _table_body,
    out_shape=jax.ShapeDtypeStruct((NCOMB, EMB), jnp.float32),
)


def _cidx_body(ef_ref, out_ref):
    x = ef_ref[...]
    out_ref[...] = ((x[0] * NE + x[1]) * NE + x[2]) * NE + x[3]


_cidx_call = pl.pallas_call(
    _cidx_body,
    grid=(M // MB,),
    in_specs=[pl.BlockSpec((NF, MB, 128), lambda i: (0, i, 0))],
    out_specs=pl.BlockSpec((MB, 128), lambda i: (i, 0)),
    out_shape=jax.ShapeDtypeStruct((M, 128), jnp.int32),
)


NBUF = 4


def _sc_body(table_hbm, cidx_hbm, out_hbm, idx_v, rows_v, *sems):
    gsems, wsems = sems[:NBUF], sems[NBUF:]
    wid = lax.axis_index("s") * NC + lax.axis_index("c")
    base = wid * ROWS_W
    pltpu.sync_copy(cidx_hbm.at[pl.ds(base, ROWS_W)], idx_v)

    def gather(g, b):
        return pltpu.make_async_copy(
            table_hbm.at[idx_v.at[pl.ds(g * CHUNK, CHUNK)]], rows_v.at[b], gsems[b])

    def write(g, b):
        return pltpu.make_async_copy(
            rows_v.at[b], out_hbm.at[pl.ds(base + g * CHUNK, CHUNK)], wsems[b])

    LEAD = 2
    for g in range(LEAD):
        gather(g, g % NBUF).start()

    def body(ko, carry):
        for b in range(NBUF):
            k = ko * NBUF + b

            @pl.when(k >= LEAD)
            def _():
                write(k - LEAD, (b - LEAD) % NBUF).wait()

            @pl.when(k + LEAD < STEPS)
            def _():
                gather(k + LEAD, (b + LEAD) % NBUF).start()

            gather(k, b).wait()
            write(k, b).start()
        return carry

    lax.fori_loop(0, STEPS // NBUF, body, 0)
    for k in range(STEPS - LEAD, STEPS):
        write(k, k % NBUF).wait()


import functools


@functools.cache
def _sc_call():
    return pl.kernel(
        _sc_body,
        out_type=jax.ShapeDtypeStruct((N_PIX, EMB), jnp.float32),
        mesh=plsc.VectorSubcoreMesh(core_axis_name="c", subcore_axis_name="s"),
        scratch_types=[
            pltpu.VMEM((ROWS_W,), jnp.int32),
            pltpu.VMEM((NBUF, CHUNK, EMB), jnp.float32),
        ] + [pltpu.SemaphoreType.DMA] * (2 * NBUF),
    )


def kernel(edge_feature, tables):
    ef = edge_feature.astype(jnp.int32).reshape(N_PIX, NF)
    ef_t = ef.T.reshape(NF, M, 128)
    big = _table_call(tables.astype(jnp.float32))
    cidx = _cidx_call(ef_t).reshape(N_PIX)
    out = _sc_call()(big, cidx)
    return out.reshape(8, 256, 256, EMB)

# --- scband reference (transcript-rebuilt; emitter-appended) ---
"""Pipeline reference for scband-edge-feature-embedding-30322469110177 (READ-ONLY COPY).

The authoritative reference and input builder live on the scoring server;
editing this copy changes nothing except your own understanding.
"""

import jax, jax.numpy as jnp
import numpy as np

EMB_DIM = 128
NUM_EDGE_FEATURES = 4
NUM_EMBEDDINGS = 10


def _xavier_uniform(key, shape):
    fan_in, fan_out = shape[0], shape[1]
    bound = float(np.sqrt(6.0 / (fan_in + fan_out)))
    return jax.random.uniform(key, shape, dtype=jnp.float32, minval=-bound, maxval=bound)


def setup_inputs(seed: int = 0) -> dict:
    key = jax.random.key(seed)
    k_idx, k_tab = jax.random.split(key)
    edge_feature = jax.random.randint(k_idx, (8, 256, 256, NUM_EDGE_FEATURES), 0, NUM_EMBEDDINGS, dtype=jnp.int64 if jax.config.jax_enable_x64 else jnp.int32)
    tables = []
    for i in range(NUM_EDGE_FEATURES):
        t = _xavier_uniform(jax.random.fold_in(k_tab, i), (NUM_EMBEDDINGS, EMB_DIM))
        t = t.at[0].set(0.0)  # padding_idx = 0
        tables.append(t)
    tables = jnp.stack(tables, axis=0)  # [F, 10, emb_dim]
    return {"edge_feature": edge_feature, "tables": tables}


def reference(edge_feature, tables):
    # Faithful translation: sum of per-feature embedding lookups.
    x_embedding = jnp.zeros(edge_feature.shape[:3] + (EMB_DIM,), dtype=tables.dtype)
    for i in range(NUM_EDGE_FEATURES):
        x_embedding = x_embedding + jnp.take(tables[i], edge_feature[:, :, :, i], axis=0)
    return x_embedding

if __name__ == "__main__":
    import jax
    _d = setup_inputs()
    print(jax.jit(kernel)(*tuple(_d.values())))

</pallas_src>

<mosaic_0001>
#map = affine_map<(d0, d1) -> (0, 0)>
#map1 = affine_map<(d0, d1) -> (0)>
module attributes {stable_mosaic.version = 14 : i64} {
  func.func @_sc_body(%arg0: i32, %arg1: i32, %arg2: memref<10000x128xf32, #tpu.memory_space<hbm>>, %arg3: memref<524288xi32, #tpu.memory_space<hbm>>, %arg4: memref<524288x128xf32, #tpu.memory_space<hbm>>, %arg5: memref<16384xi32, #tpu.memory_space<vmem>>, %arg6: memref<4x128x128xf32, #tpu.memory_space<vmem>>, %arg7: memref<!tpu.dma_semaphore, #tpu.memory_space<semaphore_mem>>, %arg8: memref<!tpu.dma_semaphore, #tpu.memory_space<semaphore_mem>>, %arg9: memref<!tpu.dma_semaphore, #tpu.memory_space<semaphore_mem>>, %arg10: memref<!tpu.dma_semaphore, #tpu.memory_space<semaphore_mem>>, %arg11: memref<!tpu.dma_semaphore, #tpu.memory_space<semaphore_mem>>, %arg12: memref<!tpu.dma_semaphore, #tpu.memory_space<semaphore_mem>>, %arg13: memref<!tpu.dma_semaphore, #tpu.memory_space<semaphore_mem>>, %arg14: memref<!tpu.dma_semaphore, #tpu.memory_space<semaphore_mem>>) attributes {dimension_semantics = [#tpu.dimension_semantics<core_parallel>, #tpu.dimension_semantics<subcore_parallel>], iteration_bounds = array<i64: 2, 16>, scalar_prefetch = 0 : i64, scratch_operands = 10 : i64, tpu.core_type = #tpu.core_type<sc_vector_subcore>, window_params = [{transform_indices = #map}, {transform_indices = #map1}, {transform_indices = #map}]} {
    %mul3A = arith.constant 2 : i32
    %mul3A_0 = arith.muli %arg1, %mul3A : i32
    %add3A = arith.addi %mul3A_0, %arg0 : i32
    %mul3A_1 = arith.constant 16384 : i32
    %mul3A_2 = arith.muli %add3A, %mul3A_1 : i32
    "tpu.region"() ({
      %run_scoped3A = tpu.sem_alloc : memref<!tpu.dma_semaphore, #tpu.memory_space<semaphore_mem>>
      %dma_start3A_56 = tpu.memref_slice %arg3[%mul3A_2] : memref<524288xi32, #tpu.memory_space<hbm>> -> memref<16384xi32, #tpu.memory_space<hbm>>
      %dma_start3A_57 = tpu.memref_slice %arg3[%mul3A_2] : memref<524288xi32, #tpu.memory_space<hbm>> -> memref<16384xi32, #tpu.memory_space<hbm>>
      tpu.enqueue_dma source(%dma_start3A_57 : memref<16384xi32, #tpu.memory_space<hbm>>) target(%arg5 : memref<16384xi32, #tpu.memory_space<vmem>>) target_semaphore(%run_scoped3A : memref<!tpu.dma_semaphore, #tpu.memory_space<semaphore_mem>>)
      %dma_wait3A_58 = tpu.memref_slice %arg3[%mul3A_2] : memref<524288xi32, #tpu.memory_space<hbm>> -> memref<16384xi32, #tpu.memory_space<hbm>>
      %dma_wait3A_59 = tpu.memref_slice %arg3[%mul3A_2] : memref<524288xi32, #tpu.memory_space<hbm>> -> memref<16384xi32, #tpu.memory_space<hbm>>
      tpu.wait_dma2 semaphore(%run_scoped3A : memref<!tpu.dma_semaphore, #tpu.memory_space<semaphore_mem>>) src(%dma_wait3A_59 : memref<16384xi32, #tpu.memory_space<hbm>>) dst(%arg5 : memref<16384xi32, #tpu.memory_space<vmem>>)
      tpu.yield
    }) : () -> ()
    %dma_start3A = arith.constant 0 : i32
    %dma_start3A_3 = arith.constant 0 : i32
    %dma_start3A_4 = arith.constant 0 : i32
    %dma_start3A_5 = tpu.memref_slice %arg6[%dma_start3A, %dma_start3A_3, %dma_start3A_4] : memref<4x128x128xf32, #tpu.memory_space<vmem>> -> memref<1x128x128xf32, #tpu.memory_space<vmem>>
    %dma_start3A_6 = tpu.memref_squeeze %dma_start3A_5 : memref<1x128x128xf32, #tpu.memory_space<vmem>> -> memref<128x128xf32, #tpu.memory_space<vmem>>
    %dma_start3A_7 = arith.constant 0 : i32
    %dma_start3A_8 = tpu.memref_slice %arg5[%dma_start3A_7] : memref<16384xi32, #tpu.memory_space<vmem>> -> memref<128xi32, #tpu.memory_space<vmem>>
    %dma_start3A_9 = arith.constant 0 : i32
    %dma_start3A_10 = arith.constant 0 : i32
    %dma_start3A_11 = tpu.memref_slice %arg2[%dma_start3A_9, %dma_start3A_10] : memref<10000x128xf32, #tpu.memory_space<hbm>> -> memref<10000x128xf32, #tpu.memory_space<hbm>>
    tpu.enqueue_indirect_dma source(%dma_start3A_11 : memref<10000x128xf32, #tpu.memory_space<hbm>>) target(%dma_start3A_6 : memref<128x128xf32, #tpu.memory_space<vmem>>) offsets(%dma_start3A_8 : memref<128xi32, #tpu.memory_space<vmem>>) semaphore(%arg7 : memref<!tpu.dma_semaphore, #tpu.memory_space<semaphore_mem>>)
    %dma_start3A_12 = arith.constant 1 : i32
    %dma_start3A_13 = arith.constant 0 : i32
    %dma_start3A_14 = arith.constant 0 : i32
    %dma_start3A_15 = tpu.memref_slice %arg6[%dma_start3A_12, %dma_start3A_13, %dma_start3A_14] : memref<4x128x128xf32, #tpu.memory_space<vmem>> -> memref<1x128x128xf32, #tpu.memory_space<vmem>>
    %dma_start3A_16 = tpu.memref_squeeze %dma_start3A_15 : memref<1x128x128xf32, #tpu.memory_space<vmem>> -> memref<128x128xf32, #tpu.memory_space<vmem>>
    %dma_start3A_17 = arith.constant 128 : i32
    %dma_start3A_18 = tpu.memref_slice %arg5[%dma_start3A_17] : memref<16384xi32, #tpu.memory_space<vmem>> -> memref<128xi32, #tpu.memory_space<vmem>>
    %dma_start3A_19 = arith.constant 0 : i32
    %dma_start3A_20 = arith.constant 0 : i32
    %dma_start3A_21 = tpu.memref_slice %arg2[%dma_start3A_19, %dma_start3A_20] : memref<10000x128xf32, #tpu.memory_space<hbm>> -> memref<10000x128xf32, #tpu.memory_space<hbm>>
    tpu.enqueue_indirect_dma source(%dma_start3A_21 : memref<10000x128xf32, #tpu.memory_space<hbm>>) target(%dma_start3A_16 : memref<128x128xf32, #tpu.memory_space<vmem>>) offsets(%dma_start3A_18 : memref<128xi32, #tpu.memory_space<vmem>>) semaphore(%arg8 : memref<!tpu.dma_semaphore, #tpu.memory_space<semaphore_mem>>)
    %scan3A = arith.constant 0 : i32
    %scan3A_22 = arith.constant 0 : i32
    %scan3A_23 = arith.constant 32 : i32
    %scan3A_24 = arith.addi %scan3A_22, %scan3A_23 : i32
    %scan3A_25 = arith.constant 1 : i32
    scf.for %scan3A_56 = %scan3A_22 to %scan3A_24 step %scan3A_25  : i32 {
      %mul3A_57 = arith.constant 4 : i32
      %mul3A_58 = arith.muli %scan3A_56, %mul3A_57 : i32
      %add3A_59 = arith.constant 0 : i32
      %add3A_60 = arith.addi %mul3A_58, %add3A_59 : i32
      %ge3A = arith.constant 2 : i32
      %ge3A_61 = arith.cmpi sge, %add3A_60, %ge3A : i32
      %convert_element_type3A = arith.extui %ge3A_61 : i1 to i32
      %cond3A = arith.constant 0 : i32
      %cond3A_62 = arith.cmpi ne, %convert_element_type3A, %cond3A : i32
      scf.if %cond3A_62 {
        %sub3A = arith.constant 2 : i32
        %sub3A_225 = arith.subi %add3A_60, %sub3A : i32
        %mul3A_226 = arith.constant 128 : i32
        %mul3A_227 = arith.muli %sub3A_225, %mul3A_226 : i32
        %add3A_228 = arith.addi %mul3A_2, %mul3A_227 : i32
        %dma_wait3A_229 = arith.constant 2 : i32
        %dma_wait3A_230 = arith.constant 0 : i32
        %dma_wait3A_231 = arith.constant 0 : i32
        %dma_wait3A_232 = tpu.memref_slice %arg6[%dma_wait3A_229, %dma_wait3A_230, %dma_wait3A_231] : memref<4x128x128xf32, #tpu.memory_space<vmem>> -> memref<1x128x128xf32, #tpu.memory_space<vmem>>
        %dma_wait3A_233 = tpu.memref_squeeze %dma_wait3A_232 : memref<1x128x128xf32, #tpu.memory_space<vmem>> -> memref<128x128xf32, #tpu.memory_space<vmem>>
        %dma_wait3A_234 = arith.constant 0 : i32
        %dma_wait3A_235 = tpu.memref_slice %arg4[%add3A_228, %dma_wait3A_234] : memref<524288x128xf32, #tpu.memory_space<hbm>> -> memref<128x128xf32, #tpu.memory_space<hbm>>
        %dma_wait3A_236 = arith.constant 0 : i32
        %dma_wait3A_237 = tpu.memref_slice %arg4[%add3A_228, %dma_wait3A_236] : memref<524288x128xf32, #tpu.memory_space<hbm>> -> memref<128x128xf32, #tpu.memory_space<hbm>>
        %dma_wait3A_238 = arith.constant 0 : i32
        %dma_wait3A_239 = arith.constant 0 : i32
        %dma_wait3A_240 = tpu.memref_slice %arg6[%dma_wait3A_229, %dma_wait3A_238, %dma_wait3A_239] : memref<4x128x128xf32, #tpu.memory_space<vmem>> -> memref<1x128x128xf32, #tpu.memory_space<vmem>>
        %dma_wait3A_241 = tpu.memref_squeeze %dma_wait3A_240 : memref<1x128x128xf32, #tpu.memory_space<vmem>> -> memref<128x128xf32, #tpu.memory_space<vmem>>
        tpu.wait_dma2 semaphore(%arg13 : memref<!tpu.dma_semaphore, #tpu.memory_space<semaphore_mem>>) src(%dma_wait3A_241 : memref<128x128xf32, #tpu.memory_space<vmem>>) dst(%dma_wait3A_237 : memref<128x128xf32, #tpu.memory_space<hbm>>)
      } else {
      }
      %add3A_63 = arith.constant 2 : i32
      %add3A_64 = arith.addi %add3A_60, %add3A_63 : i32
      %lt3A = arith.constant 128 : i32
      %lt3A_65 = arith.cmpi slt, %add3A_64, %lt3A : i32
      %convert_element_type3A_66 = arith.extui %lt3A_65 : i1 to i32
      %cond3A_67 = arith.constant 0 : i32
      %cond3A_68 = arith.cmpi ne, %convert_element_type3A_66, %cond3A_67 : i32
      scf.if %cond3A_68 {
        %add3A_225 = arith.constant 2 : i32
        %add3A_226 = arith.addi %add3A_60, %add3A_225 : i32
        %mul3A_227 = arith.constant 128 : i32
        %mul3A_228 = arith.muli %add3A_226, %mul3A_227 : i32
        %dma_start3A_229 = arith.constant 2 : i32
        %dma_start3A_230 = arith.constant 0 : i32
        %dma_start3A_231 = arith.constant 0 : i32
        %dma_start3A_232 = tpu.memref_slice %arg6[%dma_start3A_229, %dma_start3A_230, %dma_start3A_231] : memref<4x128x128xf32, #tpu.memory_space<vmem>> -> memref<1x128x128xf32, #tpu.memory_space<vmem>>
        %dma_start3A_233 = tpu.memref_squeeze %dma_start3A_232 : memref<1x128x128xf32, #tpu.memory_space<vmem>> -> memref<128x128xf32, #tpu.memory_space<vmem>>
        %dma_start3A_234 = tpu.memref_slice %arg5[%mul3A_228] : memref<16384xi32, #tpu.memory_space<vmem>> -> memref<128xi32, #tpu.memory_space<vmem>>
        %dma_start3A_235 = arith.constant 0 : i32
        %dma_start3A_236 = arith.constant 0 : i32
        %dma_start3A_237 = tpu.memref_slice %arg2[%dma_start3A_235, %dma_start3A_236] : memref<10000x128xf32, #tpu.memory_space<hbm>> -> memref<10000x128xf32, #tpu.memory_space<hbm>>
        tpu.enqueue_indirect_dma source(%dma_start3A_237 : memref<10000x128xf32, #tpu.memory_space<hbm>>) target(%dma_start3A_233 : memref<128x128xf32, #tpu.memory_space<vmem>>) offsets(%dma_start3A_234 : memref<128xi32, #tpu.memory_space<vmem>>) semaphore(%arg9 : memref<!tpu.dma_semaphore, #tpu.memory_space<semaphore_mem>>)
      } else {
      }
      %mul3A_69 = arith.constant 128 : i32
      %mul3A_70 = arith.muli %add3A_60, %mul3A_69 : i32
      %dma_wait3A_71 = arith.constant 0 : i32
      %dma_wait3A_72 = arith.constant 0 : i32
      %dma_wait3A_73 = arith.constant 0 : i32
      %dma_wait3A_74 = tpu.memref_slice %arg6[%dma_wait3A_71, %dma_wait3A_72, %dma_wait3A_73] : memref<4x128x128xf32, #tpu.memory_space<vmem>> -> memref<1x128x128xf32, #tpu.memory_space<vmem>>
      %dma_wait3A_75 = tpu.memref_squeeze %dma_wait3A_74 : memref<1x128x128xf32, #tpu.memory_space<vmem>> -> memref<128x128xf32, #tpu.memory_space<vmem>>
      %dma_wait3A_76 = tpu.memref_slice %arg5[%mul3A_70] : memref<16384xi32, #tpu.memory_space<vmem>> -> memref<128xi32, #tpu.memory_space<vmem>>
      %dma_wait3A_77 = arith.constant 0 : i32
      %dma_wait3A_78 = arith.constant 0 : i32
      %dma_wait3A_79 = tpu.memref_slice %arg2[%dma_wait3A_77, %dma_wait3A_78] : memref<10000x128xf32, #tpu.memory_space<hbm>> -> memref<10000x128xf32, #tpu.memory_space<hbm>>
      tpu.wait_indirect_dma semaphore(%arg7 : memref<!tpu.dma_semaphore, #tpu.memory_space<semaphore_mem>>) src(%dma_wait3A_79 : memref<10000x128xf32, #tpu.memory_space<hbm>>) dst(%dma_wait3A_75 : memref<128x128xf32, #tpu.memory_space<vmem>>)
      %mul3A_80 = arith.constant 128 : i32
      %mul3A_81 = arith.muli %add3A_60, %mul3A_80 : i32
      %add3A_82 = arith.addi %mul3A_2, %mul3A_81 : i32
      %dma_start3A_83 = arith.constant 0 : i32
      %dma_start3A_84 = arith.constant 0 : i32
      %dma_start3A_85 = arith.constant 0 : i32
      %dma_start3A_86 = tpu.memref_slice %arg6[%dma_start3A_83, %dma_start3A_84, %dma_start3A_85] : memref<4x128x128xf32, #tpu.memory_space<vmem>> -> memref<1x128x128xf32, #tpu.memory_space<vmem>>
      %dma_start3A_87 = tpu.memref_squeeze %dma_start3A_86 : memref<1x128x128xf32, #tpu.memory_space<vmem>> -> memref<128x128xf32, #tpu.memory_space<vmem>>
      %dma_start3A_88 = arith.constant 0 : i32
      %dma_start3A_89 = tpu.memref_slice %arg4[%add3A_82, %dma_start3A_88] : memref<524288x128xf32, #tpu.memory_space<hbm>> -> memref<128x128xf32, #tpu.memory_space<hbm>>
      %dma_start3A_90 = arith.constant 0 : i32
      %dma_start3A_91 = tpu.memref_slice %arg4[%add3A_82, %dma_start3A_90] : memref<524288x128xf32, #tpu.memory_space<hbm>> -> memref<128x128xf32, #tpu.memory_space<hbm>>
      %dma_start3A_92 = arith.constant 0 : i32
      %dma_start3A_93 = arith.constant 0 : i32
      %dma_start3A_94 = tpu.memref_slice %arg6[%dma_start3A_83, %dma_start3A_92, %dma_start3A_93] : memref<4x128x128xf32, #tpu.memory_space<vmem>> -> memref<1x128x128xf32, #tpu.memory_space<vmem>>
      %dma_start3A_95 = tpu.memref_squeeze %dma_start3A_94 : memref<1x128x128xf32, #tpu.memory_space<vmem>> -> memref<128x128xf32, #tpu.memory_space<vmem>>
      tpu.enqueue_dma source(%dma_start3A_95 : memref<128x128xf32, #tpu.memory_space<vmem>>) target(%dma_start3A_91 : memref<128x128xf32, #tpu.memory_space<hbm>>) target_semaphore(%arg11 : memref<!tpu.dma_semaphore, #tpu.memory_space<semaphore_mem>>)
      %mul3A_96 = arith.constant 4 : i32
      %mul3A_97 = arith.muli %scan3A_56, %mul3A_96 : i32
      %add3A_98 = arith.constant 1 : i32
      %add3A_99 = arith.addi %mul3A_97, %add3A_98 : i32
      %ge3A_100 = arith.constant 2 : i32
      %ge3A_101 = arith.cmpi sge, %add3A_99, %ge3A_100 : i32
      %convert_element_type3A_102 = arith.extui %ge3A_101 : i1 to i32
      %cond3A_103 = arith.constant 0 : i32
      %cond3A_104 = arith.cmpi ne, %convert_element_type3A_102, %cond3A_103 : i32
      scf.if %cond3A_104 {
        %sub3A = arith.constant 2 : i32
        %sub3A_225 = arith.subi %add3A_99, %sub3A : i32
        %mul3A_226 = arith.constant 128 : i32
        %mul3A_227 = arith.muli %sub3A_225, %mul3A_226 : i32
        %add3A_228 = arith.addi %mul3A_2, %mul3A_227 : i32
        %dma_wait3A_229 = arith.constant 3 : i32
        %dma_wait3A_230 = arith.constant 0 : i32
        %dma_wait3A_231 = arith.constant 0 : i32
        %dma_wait3A_232 = tpu.memref_slice %arg6[%dma_wait3A_229, %dma_wait3A_230, %dma_wait3A_231] : memref<4x128x128xf32, #tpu.memory_space<vmem>> -> memref<1x128x128xf32, #tpu.memory_space<vmem>>
        %dma_wait3A_233 = tpu.memref_squeeze %dma_wait3A_232 : memref<1x128x128xf32, #tpu.memory_space<vmem>> -> memref<128x128xf32, #tpu.memory_space<vmem>>
        %dma_wait3A_234 = arith.constant 0 : i32
        %dma_wait3A_235 = tpu.memref_slice %arg4[%add3A_228, %dma_wait3A_234] : memref<524288x128xf32, #tpu.memory_space<hbm>> -> memref<128x128xf32, #tpu.memory_space<hbm>>
        %dma_wait3A_236 = arith.constant 0 : i32
        %dma_wait3A_237 = tpu.memref_slice %arg4[%add3A_228, %dma_wait3A_236] : memref<524288x128xf32, #tpu.memory_space<hbm>> -> memref<128x128xf32, #tpu.memory_space<hbm>>
        %dma_wait3A_238 = arith.constant 0 : i32
        %dma_wait3A_239 = arith.constant 0 : i32
        %dma_wait3A_240 = tpu.memref_slice %arg6[%dma_wait3A_229, %dma_wait3A_238, %dma_wait3A_239] : memref<4x128x128xf32, #tpu.memory_space<vmem>> -> memref<1x128x128xf32, #tpu.memory_space<vmem>>
        %dma_wait3A_241 = tpu.memref_squeeze %dma_wait3A_240 : memref<1x128x128xf32, #tpu.memory_space<vmem>> -> memref<128x128xf32, #tpu.memory_space<vmem>>
        tpu.wait_dma2 semaphore(%arg14 : memref<!tpu.dma_semaphore, #tpu.memory_space<semaphore_mem>>) src(%dma_wait3A_241 : memref<128x128xf32, #tpu.memory_space<vmem>>) dst(%dma_wait3A_237 : memref<128x128xf32, #tpu.memory_space<hbm>>)
      } else {
      }
      %add3A_105 = arith.constant 2 : i32
      %add3A_106 = arith.addi %add3A_99, %add3A_105 : i32
      %lt3A_107 = arith.constant 128 : i32
      %lt3A_108 = arith.cmpi slt, %add3A_106, %lt3A_107 : i32
      %convert_element_type3A_109 = arith.extui %lt3A_108 : i1 to i32
      %cond3A_110 = arith.constant 0 : i32
      %cond3A_111 = arith.cmpi ne, %convert_element_type3A_109, %cond3A_110 : i32
      scf.if %cond3A_111 {
        %add3A_225 = arith.constant 2 : i32
        %add3A_226 = arith.addi %add3A_99, %add3A_225 : i32
        %mul3A_227 = arith.constant 128 : i32
        %mul3A_228 = arith.muli %add3A_226, %mul3A_227 : i32
        %dma_start3A_229 = arith.constant 3 : i32
        %dma_start3A_230 = arith.constant 0 : i32
        %dma_start3A_231 = arith.constant 0 : i32
        %dma_start3A_232 = tpu.memref_slice %arg6[%dma_start3A_229, %dma_start3A_230, %dma_start3A_231] : memref<4x128x128xf32, #tpu.memory_space<vmem>> -> memref<1x128x128xf32, #tpu.memory_space<vmem>>
        %dma_start3A_233 = tpu.memref_squeeze %dma_start3A_232 : memref<1x128x128xf32, #tpu.memory_space<vmem>> -> memref<128x128xf32, #tpu.memory_space<vmem>>
        %dma_start3A_234 = tpu.memref_slice %arg5[%mul3A_228] : memref<16384xi32, #tpu.memory_space<vmem>> -> memref<128xi32, #tpu.memory_space<vmem>>
        %dma_start3A_235 = arith.constant 0 : i32
        %dma_start3A_236 = arith.constant 0 : i32
        %dma_start3A_237 = tpu.memref_slice %arg2[%dma_start3A_235, %dma_start3A_236] : memref<10000x128xf32, #tpu.memory_space<hbm>> -> memref<10000x128xf32, #tpu.memory_space<hbm>>
        tpu.enqueue_indirect_dma source(%dma_start3A_237 : memref<10000x128xf32, #tpu.memory_space<hbm>>) target(%dma_start3A_233 : memref<128x128xf32, #tpu.memory_space<vmem>>) offsets(%dma_start3A_234 : memref<128xi32, #tpu.memory_space<vmem>>) semaphore(%arg10 : memref<!tpu.dma_semaphore, #tpu.memory_space<semaphore_mem>>)
      } else {
      }
      %mul3A_112 = arith.constant 128 : i32
      %mul3A_113 = arith.muli %add3A_99, %mul3A_112 : i32
      %dma_wait3A_114 = arith.constant 1 : i32
      %dma_wait3A_115 = arith.constant 0 : i32
      %dma_wait3A_116 = arith.constant 0 : i32
      %dma_wait3A_117 = tpu.memref_slice %arg6[%dma_wait3A_114, %dma_wait3A_115, %dma_wait3A_116] : memref<4x128x128xf32, #tpu.memory_space<vmem>> -> memref<1x128x128xf32, #tpu.memory_space<vmem>>
      %dma_wait3A_118 = tpu.memref_squeeze %dma_wait3A_117 : memref<1x128x128xf32, #tpu.memory_space<vmem>> -> memref<128x128xf32, #tpu.memory_space<vmem>>
      %dma_wait3A_119 = tpu.memref_slice %arg5[%mul3A_113] : memref<16384xi32, #tpu.memory_space<vmem>> -> memref<128xi32, #tpu.memory_space<vmem>>
      %dma_wait3A_120 = arith.constant 0 : i32
      %dma_wait3A_121 = arith.constant 0 : i32
      %dma_wait3A_122 = tpu.memref_slice %arg2[%dma_wait3A_120, %dma_wait3A_121] : memref<10000x128xf32, #tpu.memory_space<hbm>> -> memref<10000x128xf32, #tpu.memory_space<hbm>>
      tpu.wait_indirect_dma semaphore(%arg8 : memref<!tpu.dma_semaphore, #tpu.memory_space<semaphore_mem>>) src(%dma_wait3A_122 : memref<10000x128xf32, #tpu.memory_space<hbm>>) dst(%dma_wait3A_118 : memref<128x128xf32, #tpu.memory_space<vmem>>)
      %mul3A_123 = arith.constant 128 : i32
      %mul3A_124 = arith.muli %add3A_99, %mul3A_123 : i32
      %add3A_125 = arith.addi %mul3A_2, %mul3A_124 : i32
      %dma_start3A_126 = arith.constant 1 : i32
      %dma_start3A_127 = arith.constant 0 : i32
      %dma_start3A_128 = arith.constant 0 : i32
      %dma_start3A_129 = tpu.memref_slice %arg6[%dma_start3A_126, %dma_start3A_127, %dma_start3A_128] : memref<4x128x128xf32, #tpu.memory_space<vmem>> -> memref<1x128x128xf32, #tpu.memory_space<vmem>>
      %dma_start3A_130 = tpu.memref_squeeze %dma_start3A_129 : memref<1x128x128xf32, #tpu.memory_space<vmem>> -> memref<128x128xf32, #tpu.memory_space<vmem>>
      %dma_start3A_131 = arith.constant 0 : i32
      %dma_start3A_132 = tpu.memref_slice %arg4[%add3A_125, %dma_start3A_131] : memref<524288x128xf32, #tpu.memory_space<hbm>> -> memref<128x128xf32, #tpu.memory_space<hbm>>
      %dma_start3A_133 = arith.constant 0 : i32
      %dma_start3A_134 = tpu.memref_slice %arg4[%add3A_125, %dma_start3A_133] : memref<524288x128xf32, #tpu.memory_space<hbm>> -> memref<128x128xf32, #tpu.memory_space<hbm>>
      %dma_start3A_135 = arith.constant 0 : i32
      %dma_start3A_136 = arith.constant 0 : i32
      %dma_start3A_137 = tpu.memref_slice %arg6[%dma_start3A_126, %dma_start3A_135, %dma_start3A_136] : memref<4x128x128xf32, #tpu.memory_space<vmem>> -> memref<1x128x128xf32, #tpu.memory_space<vmem>>
      %dma_start3A_138 = tpu.memref_squeeze %dma_start3A_137 : memref<1x128x128xf32, #tpu.memory_space<vmem>> -> memref<128x128xf32, #tpu.memory_space<vmem>>
      tpu.enqueue_dma source(%dma_start3A_138 : memref<128x128xf32, #tpu.memory_space<vmem>>) target(%dma_start3A_134 : memref<128x128xf32, #tpu.memory_space<hbm>>) target_semaphore(%arg12 : memref<!tpu.dma_semaphore, #tpu.memory_space<semaphore_mem>>)
      %mul3A_139 = arith.constant 4 : i32
      %mul3A_140 = arith.muli %scan3A_56, %mul3A_139 : i32
      %add3A_141 = arith.constant 2 : i32
      %add3A_142 = arith.addi %mul3A_140, %add3A_141 : i32
      %ge3A_143 = arith.constant 2 : i32
      %ge3A_144 = arith.cmpi sge, %add3A_142, %ge3A_143 : i32
      %convert_element_type3A_145 = arith.extui %ge3A_144 : i1 to i32
      %cond3A_146 = arith.constant 0 : i32
      %cond3A_147 = arith.cmpi ne, %convert_element_type3A_145, %cond3A_146 : i32
      scf.if %cond3A_147 {
        %sub3A = arith.constant 2 : i32
        %sub3A_225 = arith.subi %add3A_142, %sub3A : i32
        %mul3A_226 = arith.constant 128 : i32
        %mul3A_227 = arith.muli %sub3A_225, %mul3A_226 : i32
        %add3A_228 = arith.addi %mul3A_2, %mul3A_227 : i32
        %dma_wait3A_229 = arith.constant 0 : i32
        %dma_wait3A_230 = arith.constant 0 : i32
        %dma_wait3A_231 = arith.constant 0 : i32
        %dma_wait3A_232 = tpu.memref_slice %arg6[%dma_wait3A_229, %dma_wait3A_230, %dma_wait3A_231] : memref<4x128x128xf32, #tpu.memory_space<vmem>> -> memref<1x128x128xf32, #tpu.memory_space<vmem>>
        %dma_wait3A_233 = tpu.memref_squeeze %dma_wait3A_232 : memref<1x128x128xf32, #tpu.memory_space<vmem>> -> memref<128x128xf32, #tpu.memory_space<vmem>>
        %dma_wait3A_234 = arith.constant 0 : i32
        %dma_wait3A_235 = tpu.memref_slice %arg4[%add3A_228, %dma_wait3A_234] : memref<524288x128xf32, #tpu.memory_space<hbm>> -> memref<128x128xf32, #tpu.memory_space<hbm>>
        %dma_wait3A_236 = arith.constant 0 : i32
        %dma_wait3A_237 = tpu.memref_slice %arg4[%add3A_228, %dma_wait3A_236] : memref<524288x128xf32, #tpu.memory_space<hbm>> -> memref<128x128xf32, #tpu.memory_space<hbm>>
        %dma_wait3A_238 = arith.constant 0 : i32
        %dma_wait3A_239 = arith.constant 0 : i32
        %dma_wait3A_240 = tpu.memref_slice %arg6[%dma_wait3A_229, %dma_wait3A_238, %dma_wait3A_239] : memref<4x128x128xf32, #tpu.memory_space<vmem>> -> memref<1x128x128xf32, #tpu.memory_space<vmem>>
        %dma_wait3A_241 = tpu.memref_squeeze %dma_wait3A_240 : memref<1x128x128xf32, #tpu.memory_space<vmem>> -> memref<128x128xf32, #tpu.memory_space<vmem>>
        tpu.wait_dma2 semaphore(%arg11 : memref<!tpu.dma_semaphore, #tpu.memory_space<semaphore_mem>>) src(%dma_wait3A_241 : memref<128x128xf32, #tpu.memory_space<vmem>>) dst(%dma_wait3A_237 : memref<128x128xf32, #tpu.memory_space<hbm>>)
      } else {
      }
      %add3A_148 = arith.constant 2 : i32
      %add3A_149 = arith.addi %add3A_142, %add3A_148 : i32
      %lt3A_150 = arith.constant 128 : i32
      %lt3A_151 = arith.cmpi slt, %add3A_149, %lt3A_150 : i32
      %convert_element_type3A_152 = arith.extui %lt3A_151 : i1 to i32
      %cond3A_153 = arith.constant 0 : i32
      %cond3A_154 = arith.cmpi ne, %convert_element_type3A_152, %cond3A_153 : i32
      scf.if %cond3A_154 {
        %add3A_225 = arith.constant 2 : i32
        %add3A_226 = arith.addi %add3A_142, %add3A_225 : i32
        %mul3A_227 = arith.constant 128 : i32
        %mul3A_228 = arith.muli %add3A_226, %mul3A_227 : i32
        %dma_start3A_229 = arith.constant 0 : i32
        %dma_start3A_230 = arith.constant 0 : i32
        %dma_start3A_231 = arith.constant 0 : i32
        %dma_start3A_232 = tpu.memref_slice %arg6[%dma_start3A_229, %dma_start3A_230, %dma_start3A_231] : memref<4x128x128xf32, #tpu.memory_space<vmem>> -> memref<1x128x128xf32, #tpu.memory_space<vmem>>
        %dma_start3A_233 = tpu.memref_squeeze %dma_start3A_232 : memref<1x128x128xf32, #tpu.memory_space<vmem>> -> memref<128x128xf32, #tpu.memory_space<vmem>>
        %dma_start3A_234 = tpu.memref_slice %arg5[%mul3A_228] : memref<16384xi32, #tpu.memory_space<vmem>> -> memref<128xi32, #tpu.memory_space<vmem>>
        %dma_start3A_235 = arith.constant 0 : i32
        %dma_start3A_236 = arith.constant 0 : i32
        %dma_start3A_237 = tpu.memref_slice %arg2[%dma_start3A_235, %dma_start3A_236] : memref<10000x128xf32, #tpu.memory_space<hbm>> -> memref<10000x128xf32, #tpu.memory_space<hbm>>
        tpu.enqueue_indirect_dma source(%dma_start3A_237 : memref<10000x128xf32, #tpu.memory_space<hbm>>) target(%dma_start3A_233 : memref<128x128xf32, #tpu.memory_space<vmem>>) offsets(%dma_start3A_234 : memref<128xi32, #tpu.memory_space<vmem>>) semaphore(%arg7 : memref<!tpu.dma_semaphore, #tpu.memory_space<semaphore_mem>>)
      } else {
      }
      %mul3A_155 = arith.constant 128 : i32
      %mul3A_156 = arith.muli %add3A_142, %mul3A_155 : i32
      %dma_wait3A_157 = arith.constant 2 : i32
      %dma_wait3A_158 = arith.constant 0 : i32
      %dma_wait3A_159 = arith.constant 0 : i32
      %dma_wait3A_160 = tpu.memref_slice %arg6[%dma_wait3A_157, %dma_wait3A_158, %dma_wait3A_159] : memref<4x128x128xf32, #tpu.memory_space<vmem>> -> memref<1x128x128xf32, #tpu.memory_space<vmem>>
      %dma_wait3A_161 = tpu.memref_squeeze %dma_wait3A_160 : memref<1x128x128xf32, #tpu.memory_space<vmem>> -> memref<128x128xf32, #tpu.memory_space<vmem>>
      %dma_wait3A_162 = tpu.memref_slice %arg5[%mul3A_156] : memref<16384xi32, #tpu.memory_space<vmem>> -> memref<128xi32, #tpu.memory_space<vmem>>
      %dma_wait3A_163 = arith.constant 0 : i32
      %dma_wait3A_164 = arith.constant 0 : i32
      %dma_wait3A_165 = tpu.memref_slice %arg2[%dma_wait3A_163, %dma_wait3A_164] : memref<10000x128xf32, #tpu.memory_space<hbm>> -> memref<10000x128xf32, #tpu.memory_space<hbm>>
      tpu.wait_indirect_dma semaphore(%arg9 : memref<!tpu.dma_semaphore, #tpu.memory_space<semaphore_mem>>) src(%dma_wait3A_165 : memref<10000x128xf32, #tpu.memory_space<hbm>>) dst(%dma_wait3A_161 : memref<128x128xf32, #tpu.memory_space<vmem>>)
      %mul3A_166 = arith.constant 128 : i32
      %mul3A_167 = arith.muli %add3A_142, %mul3A_166 : i32
      %add3A_168 = arith.addi %mul3A_2, %mul3A_167 : i32
      %dma_start3A_169 = arith.constant 2 : i32
      %dma_start3A_170 = arith.constant 0 : i32
      %dma_start3A_171 = arith.constant 0 : i32
      %dma_start3A_172 = tpu.memref_slice %arg6[%dma_start3A_169, %dma_start3A_170, %dma_start3A_171] : memref<4x128x128xf32, #tpu.memory_space<vmem>> -> memref<1x128x128xf32, #tpu.memory_space<vmem>>
      %dma_start3A_173 = tpu.memref_squeeze %dma_start3A_172 : memref<1x128x128xf32, #tpu.memory_space<vmem>> -> memref<128x128xf32, #tpu.memory_space<vmem>>
      %dma_start3A_174 = arith.constant 0 : i32
      %dma_start3A_175 = tpu.memref_slice %arg4[%add3A_168, %dma_start3A_174] : memref<524288x128xf32, #tpu.memory_space<hbm>> -> memref<128x128xf32, #tpu.memory_space<hbm>>
      %dma_start3A_176 = arith.constant 0 : i32
      %dma_start3A_177 = tpu.memref_slice %arg4[%add3A_168, %dma_start3A_176] : memref<524288x128xf32, #tpu.memory_space<hbm>> -> memref<128x128xf32, #tpu.memory_space<hbm>>
      %dma_start3A_178 = arith.constant 0 : i32
      %dma_start3A_179 = arith.constant 0 : i32
      %dma_start3A_180 = tpu.memref_slice %arg6[%dma_start3A_169, %dma_start3A_178, %dma_start3A_179] : memref<4x128x128xf32, #tpu.memory_space<vmem>> -> memref<1x128x128xf32, #tpu.memory_space<vmem>>
      %dma_start3A_181 = tpu.memref_squeeze %dma_start3A_180 : memref<1x128x128xf32, #tpu.memory_space<vmem>> -> memref<128x128xf32, #tpu.memory_space<vmem>>
      tpu.enqueue_dma source(%dma_start3A_181 : memref<128x128xf32, #tpu.memory_space<vmem>>) target(%dma_start3A_177 : memref<128x128xf32, #tpu.memory_space<hbm>>) target_semaphore(%arg13 : memref<!tpu.dma_semaphore, #tpu.memory_space<semaphore_mem>>)
      %mul3A_182 = arith.constant 4 : i32
      %mul3A_183 = arith.muli %scan3A_56, %mul3A_182 : i32
      %add3A_184 = arith.constant 3 : i32
      %add3A_185 = arith.addi %mul3A_183, %add3A_184 : i32
      %ge3A_186 = arith.constant 2 : i32
      %ge3A_187 = arith.cmpi sge, %add3A_185, %ge3A_186 : i32
      %convert_element_type3A_188 = arith.extui %ge3A_187 : i1 to i32
      %cond3A_189 = arith.constant 0 : i32
      %cond3A_190 = arith.cmpi ne, %convert_element_type3A_188, %cond3A_189 : i32
      scf.if %cond3A_190 {
        %sub3A = arith.constant 2 : i32
        %sub3A_225 = arith.subi %add3A_185, %sub3A : i32
        %mul3A_226 = arith.constant 128 : i32
        %mul3A_227 = arith.muli %sub3A_225, %mul3A_226 : i32
        %add3A_228 = arith.addi %mul3A_2, %mul3A_227 : i32
        %dma_wait3A_229 = arith.constant 1 : i32
        %dma_wait3A_230 = arith.constant 0 : i32
        %dma_wait3A_231 = arith.constant 0 : i32
        %dma_wait3A_232 = tpu.memref_slice %arg6[%dma_wait3A_229, %dma_wait3A_230, %dma_wait3A_231] : memref<4x128x128xf32, #tpu.memory_space<vmem>> -> memref<1x128x128xf32, #tpu.memory_space<vmem>>
        %dma_wait3A_233 = tpu.memref_squeeze %dma_wait3A_232 : memref<1x128x128xf32, #tpu.memory_space<vmem>> -> memref<128x128xf32, #tpu.memory_space<vmem>>
        %dma_wait3A_234 = arith.constant 0 : i32
        %dma_wait3A_235 = tpu.memref_slice %arg4[%add3A_228, %dma_wait3A_234] : memref<524288x128xf32, #tpu.memory_space<hbm>> -> memref<128x128xf32, #tpu.memory_space<hbm>>
        %dma_wait3A_236 = arith.constant 0 : i32
        %dma_wait3A_237 = tpu.memref_slice %arg4[%add3A_228, %dma_wait3A_236] : memref<524288x128xf32, #tpu.memory_space<hbm>> -> memref<128x128xf32, #tpu.memory_space<hbm>>
        %dma_wait3A_238 = arith.constant 0 : i32
        %dma_wait3A_239 = arith.constant 0 : i32
        %dma_wait3A_240 = tpu.memref_slice %arg6[%dma_wait3A_229, %dma_wait3A_238, %dma_wait3A_239] : memref<4x128x128xf32, #tpu.memory_space<vmem>> -> memref<1x128x128xf32, #tpu.memory_space<vmem>>
        %dma_wait3A_241 = tpu.memref_squeeze %dma_wait3A_240 : memref<1x128x128xf32, #tpu.memory_space<vmem>> -> memref<128x128xf32, #tpu.memory_space<vmem>>
        tpu.wait_dma2 semaphore(%arg12 : memref<!tpu.dma_semaphore, #tpu.memory_space<semaphore_mem>>) src(%dma_wait3A_241 : memref<128x128xf32, #tpu.memory_space<vmem>>) dst(%dma_wait3A_237 : memref<128x128xf32, #tpu.memory_space<hbm>>)
      } else {
      }
      %add3A_191 = arith.constant 2 : i32
      %add3A_192 = arith.addi %add3A_185, %add3A_191 : i32
      %lt3A_193 = arith.constant 128 : i32
      %lt3A_194 = arith.cmpi slt, %add3A_192, %lt3A_193 : i32
      %convert_element_type3A_195 = arith.extui %lt3A_194 : i1 to i32
      %cond3A_196 = arith.constant 0 : i32
      %cond3A_197 = arith.cmpi ne, %convert_element_type3A_195, %cond3A_196 : i32
      scf.if %cond3A_197 {
        %add3A_225 = arith.constant 2 : i32
        %add3A_226 = arith.addi %add3A_185, %add3A_225 : i32
        %mul3A_227 = arith.constant 128 : i32
        %mul3A_228 = arith.muli %add3A_226, %mul3A_227 : i32
        %dma_start3A_229 = arith.constant 1 : i32
        %dma_start3A_230 = arith.constant 0 : i32
        %dma_start3A_231 = arith.constant 0 : i32
        %dma_start3A_232 = tpu.memref_slice %arg6[%dma_start3A_229, %dma_start3A_230, %dma_start3A_231] : memref<4x128x128xf32, #tpu.memory_space<vmem>> -> memref<1x128x128xf32, #tpu.memory_space<vmem>>
        %dma_start3A_233 = tpu.memref_squeeze %dma_start3A_232 : memref<1x128x128xf32, #tpu.memory_space<vmem>> -> memref<128x128xf32, #tpu.memory_space<vmem>>
        %dma_start3A_234 = tpu.memref_slice %arg5[%mul3A_228] : memref<16384xi32, #tpu.memory_space<vmem>> -> memref<128xi32, #tpu.memory_space<vmem>>
        %dma_start3A_235 = arith.constant 0 : i32
        %dma_start3A_236 = arith.constant 0 : i32
        %dma_start3A_237 = tpu.memref_slice %arg2[%dma_start3A_235, %dma_start3A_236] : memref<10000x128xf32, #tpu.memory_space<hbm>> -> memref<10000x128xf32, #tpu.memory_space<hbm>>
        tpu.enqueue_indirect_dma source(%dma_start3A_237 : memref<10000x128xf32, #tpu.memory_space<hbm>>) target(%dma_start3A_233 : memref<128x128xf32, #tpu.memory_space<vmem>>) offsets(%dma_start3A_234 : memref<128xi32, #tpu.memory_space<vmem>>) semaphore(%arg8 : memref<!tpu.dma_semaphore, #tpu.memory_space<semaphore_mem>>)
      } else {
      }
      %mul3A_198 = arith.constant 128 : i32
      %mul3A_199 = arith.muli %add3A_185, %mul3A_198 : i32
      %dma_wait3A_200 = arith.constant 3 : i32
      %dma_wait3A_201 = arith.constant 0 : i32
      %dma_wait3A_202 = arith.constant 0 : i32
      %dma_wait3A_203 = tpu.memref_slice %arg6[%dma_wait3A_200, %dma_wait3A_201, %dma_wait3A_202] : memref<4x128x128xf32, #tpu.memory_space<vmem>> -> memref<1x128x128xf32, #tpu.memory_space<vmem>>
      %dma_wait3A_204 = tpu.memref_squeeze %dma_wait3A_203 : memref<1x128x128xf32, #tpu.memory_space<vmem>> -> memref<128x128xf32, #tpu.memory_space<vmem>>
      %dma_wait3A_205 = tpu.memref_slice %arg5[%mul3A_199] : memref<16384xi32, #tpu.memory_space<vmem>> -> memref<128xi32, #tpu.memory_space<vmem>>
      %dma_wait3A_206 = arith.constant 0 : i32
      %dma_wait3A_207 = arith.constant 0 : i32
      %dma_wait3A_208 = tpu.memref_slice %arg2[%dma_wait3A_206, %dma_wait3A_207] : memref<10000x128xf32, #tpu.memory_space<hbm>> -> memref<10000x128xf32, #tpu.memory_space<hbm>>
      tpu.wait_indirect_dma semaphore(%arg10 : memref<!tpu.dma_semaphore, #tpu.memory_space<semaphore_mem>>) src(%dma_wait3A_208 : memref<10000x128xf32, #tpu.memory_space<hbm>>) dst(%dma_wait3A_204 : memref<128x128xf32, #tpu.memory_space<vmem>>)
      %mul3A_209 = arith.constant 128 : i32
      %mul3A_210 = arith.muli %add3A_185, %mul3A_209 : i32
      %add3A_211 = arith.addi %mul3A_2, %mul3A_210 : i32
      %dma_start3A_212 = arith.constant 3 : i32
      %dma_start3A_213 = arith.constant 0 : i32
      %dma_start3A_214 = arith.constant 0 : i32
      %dma_start3A_215 = tpu.memref_slice %arg6[%dma_start3A_212, %dma_start3A_213, %dma_start3A_214] : memref<4x128x128xf32, #tpu.memory_space<vmem>> -> memref<1x128x128xf32, #tpu.memory_space<vmem>>
      %dma_start3A_216 = tpu.memref_squeeze %dma_start3A_215 : memref<1x128x128xf32, #tpu.memory_space<vmem>> -> memref<128x128xf32, #tpu.memory_space<vmem>>
      %dma_start3A_217 = arith.constant 0 : i32
      %dma_start3A_218 = tpu.memref_slice %arg4[%add3A_211, %dma_start3A_217] : memref<524288x128xf32, #tpu.memory_space<hbm>> -> memref<128x128xf32, #tpu.memory_space<hbm>>
      %dma_start3A_219 = arith.constant 0 : i32
      %dma_start3A_220 = tpu.memref_slice %arg4[%add3A_211, %dma_start3A_219] : memref<524288x128xf32, #tpu.memory_space<hbm>> -> memref<128x128xf32, #tpu.memory_space<hbm>>
      %dma_start3A_221 = arith.constant 0 : i32
      %dma_start3A_222 = arith.constant 0 : i32
      %dma_start3A_223 = tpu.memref_slice %arg6[%dma_start3A_212, %dma_start3A_221, %dma_start3A_222] : memref<4x128x128xf32, #tpu.memory_space<vmem>> -> memref<1x128x128xf32, #tpu.memory_space<vmem>>
      %dma_start3A_224 = tpu.memref_squeeze %dma_start3A_223 : memref<1x128x128xf32, #tpu.memory_space<vmem>> -> memref<128x128xf32, #tpu.memory_space<vmem>>
      tpu.enqueue_dma source(%dma_start3A_224 : memref<128x128xf32, #tpu.memory_space<vmem>>) target(%dma_start3A_220 : memref<128x128xf32, #tpu.memory_space<hbm>>) target_semaphore(%arg14 : memref<!tpu.dma_semaphore, #tpu.memory_space<semaphore_mem>>)
    }
    %scan3A_26 = arith.constant 32 : i32
    %add3A_27 = arith.constant 16128 : i32
    %add3A_28 = arith.addi %mul3A_2, %add3A_27 : i32
    %dma_wait3A = arith.constant 2 : i32
    %dma_wait3A_29 = arith.constant 0 : i32
    %dma_wait3A_30 = arith.constant 0 : i32
    %dma_wait3A_31 = tpu.memref_slice %arg6[%dma_wait3A, %dma_wait3A_29, %dma_wait3A_30] : memref<4x128x128xf32, #tpu.memory_space<vmem>> -> memref<1x128x128xf32, #tpu.memory_space<vmem>>
    %dma_wait3A_32 = tpu.memref_squeeze %dma_wait3A_31 : memref<1x128x128xf32, #tpu.memory_space<vmem>> -> memref<128x128xf32, #tpu.memory_space<vmem>>
    %dma_wait3A_33 = arith.constant 0 : i32
    %dma_wait3A_34 = tpu.memref_slice %arg4[%add3A_28, %dma_wait3A_33] : memref<524288x128xf32, #tpu.memory_space<hbm>> -> memref<128x128xf32, #tpu.memory_space<hbm>>
    %dma_wait3A_35 = arith.constant 0 : i32
    %dma_wait3A_36 = tpu.memref_slice %arg4[%add3A_28, %dma_wait3A_35] : memref<524288x128xf32, #tpu.memory_space<hbm>> -> memref<128x128xf32, #tpu.memory_space<hbm>>
    %dma_wait3A_37 = arith.constant 0 : i32
    %dma_wait3A_38 = arith.constant 0 : i32
    %dma_wait3A_39 = tpu.memref_slice %arg6[%dma_wait3A, %dma_wait3A_37, %dma_wait3A_38] : memref<4x128x128xf32, #tpu.memory_space<vmem>> -> memref<1x128x128xf32, #tpu.memory_space<vmem>>
    %dma_wait3A_40 = tpu.memref_squeeze %dma_wait3A_39 : memref<1x128x128xf32, #tpu.memory_space<vmem>> -> memref<128x128xf32, #tpu.memory_space<vmem>>
    tpu.wait_dma2 semaphore(%arg13 : memref<!tpu.dma_semaphore, #tpu.memory_space<semaphore_mem>>) src(%dma_wait3A_40 : memref<128x128xf32, #tpu.memory_space<vmem>>) dst(%dma_wait3A_36 : memref<128x128xf32, #tpu.memory_space<hbm>>)
    %add3A_41 = arith.constant 16256 : i32
    %add3A_42 = arith.addi %mul3A_2, %add3A_41 : i32
    %dma_wait3A_43 = arith.constant 3 : i32
    %dma_wait3A_44 = arith.constant 0 : i32
    %dma_wait3A_45 = arith.constant 0 : i32
    %dma_wait3A_46 = tpu.memref_slice %arg6[%dma_wait3A_43, %dma_wait3A_44, %dma_wait3A_45] : memref<4x128x128xf32, #tpu.memory_space<vmem>> -> memref<1x128x128xf32, #tpu.memory_space<vmem>>
    %dma_wait3A_47 = tpu.memref_squeeze %dma_wait3A_46 : memref<1x128x128xf32, #tpu.memory_space<vmem>> -> memref<128x128xf32, #tpu.memory_space<vmem>>
    %dma_wait3A_48 = arith.constant 0 : i32
    %dma_wait3A_49 = tpu.memref_slice %arg4[%add3A_42, %dma_wait3A_48] : memref<524288x128xf32, #tpu.memory_space<hbm>> -> memref<128x128xf32, #tpu.memory_space<hbm>>
    %dma_wait3A_50 = arith.constant 0 : i32
    %dma_wait3A_51 = tpu.memref_slice %arg4[%add3A_42, %dma_wait3A_50] : memref<524288x128xf32, #tpu.memory_space<hbm>> -> memref<128x128xf32, #tpu.memory_space<hbm>>
    %dma_wait3A_52 = arith.constant 0 : i32
    %dma_wait3A_53 = arith.constant 0 : i32
    %dma_wait3A_54 = tpu.memref_slice %arg6[%dma_wait3A_43, %dma_wait3A_52, %dma_wait3A_53] : memref<4x128x128xf32, #tpu.memory_space<vmem>> -> memref<1x128x128xf32, #tpu.memory_space<vmem>>
    %dma_wait3A_55 = tpu.memref_squeeze %dma_wait3A_54 : memref<1x128x128xf32, #tpu.memory_space<vmem>> -> memref<128x128xf32, #tpu.memory_space<vmem>>
    tpu.wait_dma2 semaphore(%arg14 : memref<!tpu.dma_semaphore, #tpu.memory_space<semaphore_mem>>) src(%dma_wait3A_55 : memref<128x128xf32, #tpu.memory_space<vmem>>) dst(%dma_wait3A_51 : memref<128x128xf32, #tpu.memory_space<hbm>>)
    return
  }
}

module attributes {stable_mosaic.version = 14 : i64} {
  func.func @_cidx_body(%arg0: i32, %arg1: memref<4x512x128xi32, #tpu.memory_space<vmem>>, %arg2: memref<512x128xi32, #tpu.memory_space<vmem>>) attributes {dimension_semantics = [#tpu.dimension_semantics<arbitrary>], iteration_bounds = array<i64: 8>, scalar_prefetch = 0 : i64, scratch_operands = 0 : i64, tpu.core_type = #tpu.core_type<tc>, window_params = [{transform_indices = @transform_0, window_bounds = array<i64: 4, 512, 128>}, {transform_indices = @transform_1, window_bounds = array<i64: 512, 128>}]} {
    %get3A = arith.constant 0 : index
    %get3A_0 = arith.constant 0 : index
    %get3A_1 = arith.constant 0 : index
    %get3A_2 = vector.load %arg1[%get3A, %get3A_0, %get3A_1] : memref<4x512x128xi32, #tpu.memory_space<vmem>>, vector<4x512x128xi32>
    %slice3A = vector.extract_strided_slice %get3A_2 {offsets = [0, 0, 0], sizes = [1, 512, 128], strides = [1, 1, 1]} : vector<4x512x128xi32> to vector<1x512x128xi32>
    %squeeze3A = vector.shape_cast %slice3A : vector<1x512x128xi32> to vector<512x128xi32>
    %mul3A = arith.constant 10 : i32
    %mul3A_3 = vector.broadcast %mul3A : i32 to vector<512x128xi32>
    %mul3A_4 = arith.muli %squeeze3A, %mul3A_3 : vector<512x128xi32>
    %slice3A_5 = vector.extract_strided_slice %get3A_2 {offsets = [1, 0, 0], sizes = [1, 512, 128], strides = [1, 1, 1]} : vector<4x512x128xi32> to vector<1x512x128xi32>
    %squeeze3A_6 = vector.shape_cast %slice3A_5 : vector<1x512x128xi32> to vector<512x128xi32>
    %add3A = arith.addi %mul3A_4, %squeeze3A_6 : vector<512x128xi32>
    %mul3A_7 = arith.constant 10 : i32
    %mul3A_8 = vector.broadcast %mul3A_7 : i32 to vector<512x128xi32>
    %mul3A_9 = arith.muli %add3A, %mul3A_8 : vector<512x128xi32>
    %slice3A_10 = vector.extract_strided_slice %get3A_2 {offsets = [2, 0, 0], sizes = [1, 512, 128], strides = [1, 1, 1]} : vector<4x512x128xi32> to vector<1x512x128xi32>
    %squeeze3A_11 = vector.shape_cast %slice3A_10 : vector<1x512x128xi32> to vector<512x128xi32>
    %add3A_12 = arith.addi %mul3A_9, %squeeze3A_11 : vector<512x128xi32>
    %mul3A_13 = arith.constant 10 : i32
    %mul3A_14 = vector.broadcast %mul3A_13 : i32 to vector<512x128xi32>
    %mul3A_15 = arith.muli %add3A_12, %mul3A_14 : vector<512x128xi32>
    %slice3A_16 = vector.extract_strided_slice %get3A_2 {offsets = [3, 0, 0], sizes = [1, 512, 128], strides = [1, 1, 1]} : vector<4x512x128xi32> to vector<1x512x128xi32>
    %squeeze3A_17 = vector.shape_cast %slice3A_16 : vector<1x512x128xi32> to vector<512x128xi32>
    %add3A_18 = arith.addi %mul3A_15, %squeeze3A_17 : vector<512x128xi32>
    %swap3A = arith.constant 0 : index
    %swap3A_19 = arith.constant 0 : index
    %swap3A_20 = vector.load %arg2[%swap3A, %swap3A_19] : memref<512x128xi32, #tpu.memory_space<vmem>>, vector<512x128xi32>
    tpu.vector_store %arg2[%swap3A, %swap3A_19], %add3A_18 {strides = array<i32>} : memref<512x128xi32, #tpu.memory_space<vmem>>, vector<512x128xi32>,
    return
  }
  func.func @transform_0(%arg0: i32) -> (i32, i32, i32) {
    %c0_i32 = arith.constant 0 : i32
    %c0_i32_0 = arith.constant 0 : i32
    %c0_i32_1 = arith.constant 0 : i32
    return %c0_i32, %arg0, %c0_i32_0 : i32, i32, i32
  }
  func.func @transform_1(%arg0: i32) -> (i32, i32) {
    %c0_i32 = arith.constant 0 : i32
    %c0_i32_0 = arith.constant 0 : i32
    return %arg0, %c0_i32 : i32, i32
  }
}

module attributes {stable_mosaic.version = 14 : i64} {
  func.func @_table_body(%arg0: memref<4x10x128xf32, #tpu.memory_space<vmem>>, %arg1: memref<10000x128xf32, #tpu.memory_space<vmem>>) attributes {dimension_semantics = [], scalar_prefetch = 0 : i64, scratch_operands = 0 : i64, tpu.core_type = #tpu.core_type<tc>} {
    %iota3A = tpu.iota {dimensions = array<i32: 0>} : vector<10000x1xi32>
    %broadcast_in_dim3A = arith.constant 0.000000e+00 : f32
    %broadcast_in_dim3A_0 = vector.broadcast %broadcast_in_dim3A : f32 to vector<10000x128xf32>
    %jit3A = arith.constant 1000 : i32
    %div3A = vector.broadcast %jit3A : i32 to vector<10000x1xi32>
    %div3A_1 = arith.divsi %iota3A, %div3A : vector<10000x1xi32>
    %sign3A = arith.constant 0 : i32
    %sign3A_2 = vector.broadcast %sign3A : i32 to vector<10000x1xi32>
    %sign3A_3 = arith.cmpi sgt, %iota3A, %sign3A_2 : vector<10000x1xi32>
    %sign3A_4 = arith.extui %sign3A_3 : vector<10000x1xi1> to vector<10000x1xi32>
    %sign3A_5 = arith.constant 0 : i32
    %sign3A_6 = vector.broadcast %sign3A_5 : i32 to vector<10000x1xi32>
    %sign3A_7 = arith.cmpi slt, %iota3A, %sign3A_6 : vector<10000x1xi32>
    %sign3A_8 = arith.extui %sign3A_7 : vector<10000x1xi1> to vector<10000x1xi32>
    %sign3A_9 = arith.subi %sign3A_4, %sign3A_8 : vector<10000x1xi32>
    %sign3A_10 = arith.constant 0 : i32
    %sign3A_11 = arith.cmpi sgt, %jit3A, %sign3A_10 : i32
    %sign3A_12 = arith.extui %sign3A_11 : i1 to i32
    %sign3A_13 = arith.constant 0 : i32
    %sign3A_14 = arith.cmpi slt, %jit3A, %sign3A_13 : i32
    %sign3A_15 = arith.extui %sign3A_14 : i1 to i32
    %sign3A_16 = arith.subi %sign3A_12, %sign3A_15 : i32
    %ne3A = vector.broadcast %sign3A_16 : i32 to vector<10000x1xi32>
    %ne3A_17 = arith.cmpi ne, %sign3A_9, %ne3A : vector<10000x1xi32>
    %rem3A = vector.broadcast %jit3A : i32 to vector<10000x1xi32>
    %rem3A_18 = arith.remsi %iota3A, %rem3A : vector<10000x1xi32>
    %ne3A_19 = arith.constant 0 : i32
    %ne3A_20 = vector.broadcast %ne3A_19 : i32 to vector<10000x1xi32>
    %ne3A_21 = arith.cmpi ne, %rem3A_18, %ne3A_20 : vector<10000x1xi32>
    %and3A = arith.andi %ne3A_17, %ne3A_21 : vector<10000x1xi1>
    %sub3A = arith.constant 1 : i32
    %sub3A_22 = vector.broadcast %sub3A : i32 to vector<10000x1xi32>
    %sub3A_23 = arith.subi %div3A_1, %sub3A_22 : vector<10000x1xi32>
    %select_n3A = arith.select %and3A, %sub3A_23, %div3A_1 : vector<10000x1xi1>, vector<10000x1xi32>
    %jit3A_24 = arith.constant 10 : i32
    %eq3A = arith.constant 0 : i32
    %eq3A_25 = arith.cmpi eq, %jit3A_24, %eq3A : i32
    %jit3A_26 = arith.constant 1 : i32
    %select_n3A_27 = arith.select %eq3A_25, %jit3A_26, %jit3A_24 : i32
    %rem3A_28 = vector.broadcast %select_n3A_27 : i32 to vector<10000x1xi32>
    %rem3A_29 = arith.remsi %select_n3A, %rem3A_28 : vector<10000x1xi32>
    %ne3A_30 = arith.constant 0 : i32
    %ne3A_31 = vector.broadcast %ne3A_30 : i32 to vector<10000x1xi32>
    %ne3A_32 = arith.cmpi ne, %rem3A_29, %ne3A_31 : vector<10000x1xi32>
    %lt3A = arith.constant 0 : i32
    %lt3A_33 = vector.broadcast %lt3A : i32 to vector<10000x1xi32>
    %lt3A_34 = arith.cmpi slt, %rem3A_29, %lt3A_33 : vector<10000x1xi32>
    %lt3A_35 = arith.constant 0 : i32
    %lt3A_36 = arith.cmpi slt, %select_n3A_27, %lt3A_35 : i32
    %ne3A_37 = vector.broadcast %lt3A_36 : i1 to vector<10000x1xi1>
    %ne3A_38 = vector.broadcast %ne3A_37 : vector<10000x1xi1> to vector<10000x1xi1>
    %ne3A_39 = arith.xori %lt3A_34, %ne3A_38 : vector<10000x1xi1>
    %and3A_40 = arith.andi %ne3A_39, %ne3A_32 : vector<10000x1xi1>
    %add3A = vector.broadcast %select_n3A_27 : i32 to vector<10000x1xi32>
    %add3A_41 = arith.addi %rem3A_29, %add3A : vector<10000x1xi32>
    %select_n3A_42 = arith.select %and3A_40, %add3A_41, %rem3A_29 : vector<10000x1xi1>, vector<10000x1xi32>
    %iota3A_43 = tpu.iota {dimensions = array<i32: 1>} : vector<10000x10xi32>
    %eq3A_44 = vector.broadcast %select_n3A_42 : vector<10000x1xi32> to vector<10000x10xi32>
    %eq3A_45 = arith.cmpi eq, %eq3A_44, %iota3A_43 : vector<10000x10xi32>
    %convert_element_type3A = arith.extui %eq3A_45 : vector<10000x10xi1> to vector<10000x10xi32>
    %convert_element_type3A_46 = arith.sitofp %convert_element_type3A : vector<10000x10xi32> to vector<10000x10xf32>
    %get3A = arith.constant 0 : index
    %get3A_47 = arith.constant 0 : index
    %get3A_48 = arith.constant 0 : index
    %get3A_49 = vector.load %arg0[%get3A, %get3A_47, %get3A_48] : memref<4x10x128xf32, #tpu.memory_space<vmem>>, vector<1x10x128xf32>
    %get3A_50 = vector.shape_cast %get3A_49 : vector<1x10x128xf32> to vector<10x128xf32>
    %convert_element_type3A_51 = arith.truncf %get3A_50 : vector<10x128xf32> to vector<10x128xbf16>
    %convert_element_type3A_52 = arith.extf %convert_element_type3A_51 : vector<10x128xbf16> to vector<10x128xf32>
    %dot_general3A = arith.constant dense<0.000000e+00> : vector<10000x128xf32>
    %dot_general3A_53 = tpu.matmul %convert_element_type3A_46, %convert_element_type3A_52, %dot_general3A {dimension_numbers = #tpu.dot_dimension_numbers<[1], [0], [0], [1], [0, 0, 1, 1], [], []>, transpose_lhs_hint = false} : vector<10000x10xf32>, vector<10x128xf32>, vector<10000x128xf32> -> vector<10000x128xf32>
    %add3A_54 = arith.addf %broadcast_in_dim3A_0, %dot_general3A_53 : vector<10000x128xf32>
    %sub3A_55 = arith.subf %get3A_50, %convert_element_type3A_52 : vector<10x128xf32>
    %dot_general3A_56 = arith.constant dense<0.000000e+00> : vector<10000x128xf32>
    %dot_general3A_57 = tpu.matmul %convert_element_type3A_46, %sub3A_55, %dot_general3A_56 {dimension_numbers = #tpu.dot_dimension_numbers<[1], [0], [0], [1], [0, 0, 1, 1], [], []>, transpose_lhs_hint = false} : vector<10000x10xf32>, vector<10x128xf32>, vector<10000x128xf32> -> vector<10000x128xf32>
    %add3A_58 = arith.addf %add3A_54, %dot_general3A_57 : vector<10000x128xf32>
    %jit3A_59 = arith.constant 100 : i32
    %div3A_60 = vector.broadcast %jit3A_59 : i32 to vector<10000x1xi32>
    %div3A_61 = arith.divsi %iota3A, %div3A_60 : vector<10000x1xi32>
    %sign3A_62 = arith.constant 0 : i32
    %sign3A_63 = vector.broadcast %sign3A_62 : i32 to vector<10000x1xi32>
    %sign3A_64 = arith.cmpi sgt, %iota3A, %sign3A_63 : vector<10000x1xi32>
    %sign3A_65 = arith.extui %sign3A_64 : vector<10000x1xi1> to vector<10000x1xi32>
    %sign3A_66 = arith.constant 0 : i32
    %sign3A_67 = vector.broadcast %sign3A_66 : i32 to vector<10000x1xi32>
    %sign3A_68 = arith.cmpi slt, %iota3A, %sign3A_67 : vector<10000x1xi32>
    %sign3A_69 = arith.extui %sign3A_68 : vector<10000x1xi1> to vector<10000x1xi32>
    %sign3A_70 = arith.subi %sign3A_65, %sign3A_69 : vector<10000x1xi32>
    %sign3A_71 = arith.constant 0 : i32
    %sign3A_72 = arith.cmpi sgt, %jit3A_59, %sign3A_71 : i32
    %sign3A_73 = arith.extui %sign3A_72 : i1 to i32
    %sign3A_74 = arith.constant 0 : i32
    %sign3A_75 = arith.cmpi slt, %jit3A_59, %sign3A_74 : i32
    %sign3A_76 = arith.extui %sign3A_75 : i1 to i32
    %sign3A_77 = arith.subi %sign3A_73, %sign3A_76 : i32
    %ne3A_78 = vector.broadcast %sign3A_77 : i32 to vector<10000x1xi32>
    %ne3A_79 = arith.cmpi ne, %sign3A_70, %ne3A_78 : vector<10000x1xi32>
    %rem3A_80 = vector.broadcast %jit3A_59 : i32 to vector<10000x1xi32>
    %rem3A_81 = arith.remsi %iota3A, %rem3A_80 : vector<10000x1xi32>
    %ne3A_82 = arith.constant 0 : i32
    %ne3A_83 = vector.broadcast %ne3A_82 : i32 to vector<10000x1xi32>
    %ne3A_84 = arith.cmpi ne, %rem3A_81, %ne3A_83 : vector<10000x1xi32>
    %and3A_85 = arith.andi %ne3A_79, %ne3A_84 : vector<10000x1xi1>
    %sub3A_86 = arith.constant 1 : i32
    %sub3A_87 = vector.broadcast %sub3A_86 : i32 to vector<10000x1xi32>
    %sub3A_88 = arith.subi %div3A_61, %sub3A_87 : vector<10000x1xi32>
    %select_n3A_89 = arith.select %and3A_85, %sub3A_88, %div3A_61 : vector<10000x1xi1>, vector<10000x1xi32>
    %jit3A_90 = arith.constant 10 : i32
    %eq3A_91 = arith.constant 0 : i32
    %eq3A_92 = arith.cmpi eq, %jit3A_90, %eq3A_91 : i32
    %jit3A_93 = arith.constant 1 : i32
    %select_n3A_94 = arith.select %eq3A_92, %jit3A_93, %jit3A_90 : i32
    %rem3A_95 = vector.broadcast %select_n3A_94 : i32 to vector<10000x1xi32>
    %rem3A_96 = arith.remsi %select_n3A_89, %rem3A_95 : vector<10000x1xi32>
    %ne3A_97 = arith.constant 0 : i32
    %ne3A_98 = vector.broadcast %ne3A_97 : i32 to vector<10000x1xi32>
    %ne3A_99 = arith.cmpi ne, %rem3A_96, %ne3A_98 : vector<10000x1xi32>
    %lt3A_100 = arith.constant 0 : i32
    %lt3A_101 = vector.broadcast %lt3A_100 : i32 to vector<10000x1xi32>
    %lt3A_102 = arith.cmpi slt, %rem3A_96, %lt3A_101 : vector<10000x1xi32>
    %lt3A_103 = arith.constant 0 : i32
    %lt3A_104 = arith.cmpi slt, %select_n3A_94, %lt3A_103 : i32
    %ne3A_105 = vector.broadcast %lt3A_104 : i1 to vector<10000x1xi1>
    %ne3A_106 = vector.broadcast %ne3A_105 : vector<10000x1xi1> to vector<10000x1xi1>
    %ne3A_107 = arith.xori %lt3A_102, %ne3A_106 : vector<10000x1xi1>
    %and3A_108 = arith.andi %ne3A_107, %ne3A_99 : vector<10000x1xi1>
    %add3A_109 = vector.broadcast %select_n3A_94 : i32 to vector<10000x1xi32>
    %add3A_110 = arith.addi %rem3A_96, %add3A_109 : vector<10000x1xi32>
    %select_n3A_111 = arith.select %and3A_108, %add3A_110, %rem3A_96 : vector<10000x1xi1>, vector<10000x1xi32>
    %iota3A_112 = tpu.iota {dimensions = array<i32: 1>} : vector<10000x10xi32>
    %eq3A_113 = vector.broadcast %select_n3A_111 : vector<10000x1xi32> to vector<10000x10xi32>
    %eq3A_114 = arith.cmpi eq, %eq3A_113, %iota3A_112 : vector<10000x10xi32>
    %convert_element_type3A_115 = arith.extui %eq3A_114 : vector<10000x10xi1> to vector<10000x10xi32>
    %convert_element_type3A_116 = arith.sitofp %convert_element_type3A_115 : vector<10000x10xi32> to vector<10000x10xf32>
    %get3A_117 = arith.constant 1 : index
    %get3A_118 = arith.constant 0 : index
    %get3A_119 = arith.constant 0 : index
    %get3A_120 = vector.load %arg0[%get3A_117, %get3A_118, %get3A_119] : memref<4x10x128xf32, #tpu.memory_space<vmem>>, vector<1x10x128xf32>
    %get3A_121 = vector.shape_cast %get3A_120 : vector<1x10x128xf32> to vector<10x128xf32>
    %convert_element_type3A_122 = arith.truncf %get3A_121 : vector<10x128xf32> to vector<10x128xbf16>
    %convert_element_type3A_123 = arith.extf %convert_element_type3A_122 : vector<10x128xbf16> to vector<10x128xf32>
    %dot_general3A_124 = arith.constant dense<0.000000e+00> : vector<10000x128xf32>
    %dot_general3A_125 = tpu.matmul %convert_element_type3A_116, %convert_element_type3A_123, %dot_general3A_124 {dimension_numbers = #tpu.dot_dimension_numbers<[1], [0], [0], [1], [0, 0, 1, 1], [], []>, transpose_lhs_hint = false} : vector<10000x10xf32>, vector<10x128xf32>, vector<10000x128xf32> -> vector<10000x128xf32>
    %add3A_126 = arith.addf %add3A_58, %dot_general3A_125 : vector<10000x128xf32>
    %sub3A_127 = arith.subf %get3A_121, %convert_element_type3A_123 : vector<10x128xf32>
    %dot_general3A_128 = arith.constant dense<0.000000e+00> : vector<10000x128xf32>
    %dot_general3A_129 = tpu.matmul %convert_element_type3A_116, %sub3A_127, %dot_general3A_128 {dimension_numbers = #tpu.dot_dimension_numbers<[1], [0], [0], [1], [0, 0, 1, 1], [], []>, transpose_lhs_hint = false} : vector<10000x10xf32>, vector<10x128xf32>, vector<10000x128xf32> -> vector<10000x128xf32>
    %add3A_130 = arith.addf %add3A_126, %dot_general3A_129 : vector<10000x128xf32>
    %jit3A_131 = arith.constant 10 : i32
    %div3A_132 = vector.broadcast %jit3A_131 : i32 to vector<10000x1xi32>
    %div3A_133 = arith.divsi %iota3A, %div3A_132 : vector<10000x1xi32>
    %sign3A_134 = arith.constant 0 : i32
    %sign3A_135 = vector.broadcast %sign3A_134 : i32 to vector<10000x1xi32>
    %sign3A_136 = arith.cmpi sgt, %iota3A, %sign3A_135 : vector<10000x1xi32>
    %sign3A_137 = arith.extui %sign3A_136 : vector<10000x1xi1> to vector<10000x1xi32>
    %sign3A_138 = arith.constant 0 : i32
    %sign3A_139 = vector.broadcast %sign3A_138 : i32 to vector<10000x1xi32>
    %sign3A_140 = arith.cmpi slt, %iota3A, %sign3A_139 : vector<10000x1xi32>
    %sign3A_141 = arith.extui %sign3A_140 : vector<10000x1xi1> to vector<10000x1xi32>
    %sign3A_142 = arith.subi %sign3A_137, %sign3A_141 : vector<10000x1xi32>
    %sign3A_143 = arith.constant 0 : i32
    %sign3A_144 = arith.cmpi sgt, %jit3A_131, %sign3A_143 : i32
    %sign3A_145 = arith.extui %sign3A_144 : i1 to i32
    %sign3A_146 = arith.constant 0 : i32
    %sign3A_147 = arith.cmpi slt, %jit3A_131, %sign3A_146 : i32
    %sign3A_148 = arith.extui %sign3A_147 : i1 to i32
    %sign3A_149 = arith.subi %sign3A_145, %sign3A_148 : i32
    %ne3A_150 = vector.broadcast %sign3A_149 : i32 to vector<10000x1xi32>
    %ne3A_151 = arith.cmpi ne, %sign3A_142, %ne3A_150 : vector<10000x1xi32>
    %rem3A_152 = vector.broadcast %jit3A_131 : i32 to vector<10000x1xi32>
    %rem3A_153 = arith.remsi %iota3A, %rem3A_152 : vector<10000x1xi32>
    %ne3A_154 = arith.constant 0 : i32
    %ne3A_155 = vector.broadcast %ne3A_154 : i32 to vector<10000x1xi32>
    %ne3A_156 = arith.cmpi ne, %rem3A_153, %ne3A_155 : vector<10000x1xi32>
    %and3A_157 = arith.andi %ne3A_151, %ne3A_156 : vector<10000x1xi1>
    %sub3A_158 = arith.constant 1 : i32
    %sub3A_159 = vector.broadcast %sub3A_158 : i32 to vector<10000x1xi32>
    %sub3A_160 = arith.subi %div3A_133, %sub3A_159 : vector<10000x1xi32>
    %select_n3A_161 = arith.select %and3A_157, %sub3A_160, %div3A_133 : vector<10000x1xi1>, vector<10000x1xi32>
    %jit3A_162 = arith.constant 10 : i32
    %eq3A_163 = arith.constant 0 : i32
    %eq3A_164 = arith.cmpi eq, %jit3A_162, %eq3A_163 : i32
    %jit3A_165 = arith.constant 1 : i32
    %select_n3A_166 = arith.select %eq3A_164, %jit3A_165, %jit3A_162 : i32
    %rem3A_167 = vector.broadcast %select_n3A_166 : i32 to vector<10000x1xi32>
    %rem3A_168 = arith.remsi %select_n3A_161, %rem3A_167 : vector<10000x1xi32>
    %ne3A_169 = arith.constant 0 : i32
    %ne3A_170 = vector.broadcast %ne3A_169 : i32 to vector<10000x1xi32>
    %ne3A_171 = arith.cmpi ne, %rem3A_168, %ne3A_170 : vector<10000x1xi32>
    %lt3A_172 = arith.constant 0 : i32
    %lt3A_173 = vector.broadcast %lt3A_172 : i32 to vector<10000x1xi32>
    %lt3A_174 = arith.cmpi slt, %rem3A_168, %lt3A_173 : vector<10000x1xi32>
    %lt3A_175 = arith.constant 0 : i32
    %lt3A_176 = arith.cmpi slt, %select_n3A_166, %lt3A_175 : i32
    %ne3A_177 = vector.broadcast %lt3A_176 : i1 to vector<10000x1xi1>
    %ne3A_178 = vector.broadcast %ne3A_177 : vector<10000x1xi1> to vector<10000x1xi1>
    %ne3A_179 = arith.xori %lt3A_174, %ne3A_178 : vector<10000x1xi1>
    %and3A_180 = arith.andi %ne3A_179, %ne3A_171 : vector<10000x1xi1>
    %add3A_181 = vector.broadcast %select_n3A_166 : i32 to vector<10000x1xi32>
    %add3A_182 = arith.addi %rem3A_168, %add3A_181 : vector<10000x1xi32>
    %select_n3A_183 = arith.select %and3A_180, %add3A_182, %rem3A_168 : vector<10000x1xi1>, vector<10000x1xi32>
    %iota3A_184 = tpu.iota {dimensions = array<i32: 1>} : vector<10000x10xi32>
    %eq3A_185 = vector.broadcast %select_n3A_183 : vector<10000x1xi32> to vector<10000x10xi32>
    %eq3A_186 = arith.cmpi eq, %eq3A_185, %iota3A_184 : vector<10000x10xi32>
    %convert_element_type3A_187 = arith.extui %eq3A_186 : vector<10000x10xi1> to vector<10000x10xi32>
    %convert_element_type3A_188 = arith.sitofp %convert_element_type3A_187 : vector<10000x10xi32> to vector<10000x10xf32>
    %get3A_189 = arith.constant 2 : index
    %get3A_190 = arith.constant 0 : index
    %get3A_191 = arith.constant 0 : index
    %get3A_192 = vector.load %arg0[%get3A_189, %get3A_190, %get3A_191] : memref<4x10x128xf32, #tpu.memory_space<vmem>>, vector<1x10x128xf32>
    %get3A_193 = vector.shape_cast %get3A_192 : vector<1x10x128xf32> to vector<10x128xf32>
    %convert_element_type3A_194 = arith.truncf %get3A_193 : vector<10x128xf32> to vector<10x128xbf16>
    %convert_element_type3A_195 = arith.extf %convert_element_type3A_194 : vector<10x128xbf16> to vector<10x128xf32>
    %dot_general3A_196 = arith.constant dense<0.000000e+00> : vector<10000x128xf32>
    %dot_general3A_197 = tpu.matmul %convert_element_type3A_188, %convert_element_type3A_195, %dot_general3A_196 {dimension_numbers = #tpu.dot_dimension_numbers<[1], [0], [0], [1], [0, 0, 1, 1], [], []>, transpose_lhs_hint = false} : vector<10000x10xf32>, vector<10x128xf32>, vector<10000x128xf32> -> vector<10000x128xf32>
    %add3A_198 = arith.addf %add3A_130, %dot_general3A_197 : vector<10000x128xf32>
    %sub3A_199 = arith.subf %get3A_193, %convert_element_type3A_195 : vector<10x128xf32>
    %dot_general3A_200 = arith.constant dense<0.000000e+00> : vector<10000x128xf32>
    %dot_general3A_201 = tpu.matmul %convert_element_type3A_188, %sub3A_199, %dot_general3A_200 {dimension_numbers = #tpu.dot_dimension_numbers<[1], [0], [0], [1], [0, 0, 1, 1], [], []>, transpose_lhs_hint = false} : vector<10000x10xf32>, vector<10x128xf32>, vector<10000x128xf32> -> vector<10000x128xf32>
    %add3A_202 = arith.addf %add3A_198, %dot_general3A_201 : vector<10000x128xf32>
    %jit3A_203 = arith.constant 1 : i32
    %div3A_204 = vector.broadcast %jit3A_203 : i32 to vector<10000x1xi32>
    %div3A_205 = arith.divsi %iota3A, %div3A_204 : vector<10000x1xi32>
    %sign3A_206 = arith.constant 0 : i32
    %sign3A_207 = vector.broadcast %sign3A_206 : i32 to vector<10000x1xi32>
    %sign3A_208 = arith.cmpi sgt, %iota3A, %sign3A_207 : vector<10000x1xi32>
    %sign3A_209 = arith.extui %sign3A_208 : vector<10000x1xi1> to vector<10000x1xi32>
    %sign3A_210 = arith.constant 0 : i32
    %sign3A_211 = vector.broadcast %sign3A_210 : i32 to vector<10000x1xi32>
    %sign3A_212 = arith.cmpi slt, %iota3A, %sign3A_211 : vector<10000x1xi32>
    %sign3A_213 = arith.extui %sign3A_212 : vector<10000x1xi1> to vector<10000x1xi32>
    %sign3A_214 = arith.subi %sign3A_209, %sign3A_213 : vector<10000x1xi32>
    %sign3A_215 = arith.constant 0 : i32
    %sign3A_216 = arith.cmpi sgt, %jit3A_203, %sign3A_215 : i32
    %sign3A_217 = arith.extui %sign3A_216 : i1 to i32
    %sign3A_218 = arith.constant 0 : i32
    %sign3A_219 = arith.cmpi slt, %jit3A_203, %sign3A_218 : i32
    %sign3A_220 = arith.extui %sign3A_219 : i1 to i32
    %sign3A_221 = arith.subi %sign3A_217, %sign3A_220 : i32
    %ne3A_222 = vector.broadcast %sign3A_221 : i32 to vector<10000x1xi32>
    %ne3A_223 = arith.cmpi ne, %sign3A_214, %ne3A_222 : vector<10000x1xi32>
    %rem3A_224 = vector.broadcast %jit3A_203 : i32 to vector<10000x1xi32>
    %rem3A_225 = arith.remsi %iota3A, %rem3A_224 : vector<10000x1xi32>
    %ne3A_226 = arith.constant 0 : i32
    %ne3A_227 = vector.broadcast %ne3A_226 : i32 to vector<10000x1xi32>
    %ne3A_228 = arith.cmpi ne, %rem3A_225, %ne3A_227 : vector<10000x1xi32>
    %and3A_229 = arith.andi %ne3A_223, %ne3A_228 : vector<10000x1xi1>
    %sub3A_230 = arith.constant 1 : i32
    %sub3A_231 = vector.broadcast %sub3A_230 : i32 to vector<10000x1xi32>
    %sub3A_232 = arith.subi %div3A_205, %sub3A_231 : vector<10000x1xi32>
    %select_n3A_233 = arith.select %and3A_229, %sub3A_232, %div3A_205 : vector<10000x1xi1>, vector<10000x1xi32>
    %jit3A_234 = arith.constant 10 : i32
    %eq3A_235 = arith.constant 0 : i32
    %eq3A_236 = arith.cmpi eq, %jit3A_234, %eq3A_235 : i32
    %jit3A_237 = arith.constant 1 : i32
    %select_n3A_238 = arith.select %eq3A_236, %jit3A_237, %jit3A_234 : i32
    %rem3A_239 = vector.broadcast %select_n3A_238 : i32 to vector<10000x1xi32>
    %rem3A_240 = arith.remsi %select_n3A_233, %rem3A_239 : vector<10000x1xi32>
    %ne3A_241 = arith.constant 0 : i32
    %ne3A_242 = vector.broadcast %ne3A_241 : i32 to vector<10000x1xi32>
    %ne3A_243 = arith.cmpi ne, %rem3A_240, %ne3A_242 : vector<10000x1xi32>
    %lt3A_244 = arith.constant 0 : i32
    %lt3A_245 = vector.broadcast %lt3A_244 : i32 to vector<10000x1xi32>
    %lt3A_246 = arith.cmpi slt, %rem3A_240, %lt3A_245 : vector<10000x1xi32>
    %lt3A_247 = arith.constant 0 : i32
    %lt3A_248 = arith.cmpi slt, %select_n3A_238, %lt3A_247 : i32
    %ne3A_249 = vector.broadcast %lt3A_248 : i1 to vector<10000x1xi1>
    %ne3A_250 = vector.broadcast %ne3A_249 : vector<10000x1xi1> to vector<10000x1xi1>
    %ne3A_251 = arith.xori %lt3A_246, %ne3A_250 : vector<10000x1xi1>
    %and3A_252 = arith.andi %ne3A_251, %ne3A_243 : vector<10000x1xi1>
    %add3A_253 = vector.broadcast %select_n3A_238 : i32 to vector<10000x1xi32>
    %add3A_254 = arith.addi %rem3A_240, %add3A_253 : vector<10000x1xi32>
    %select_n3A_255 = arith.select %and3A_252, %add3A_254, %rem3A_240 : vector<10000x1xi1>, vector<10000x1xi32>
    %iota3A_256 = tpu.iota {dimensions = array<i32: 1>} : vector<10000x10xi32>
    %eq3A_257 = vector.broadcast %select_n3A_255 : vector<10000x1xi32> to vector<10000x10xi32>
    %eq3A_258 = arith.cmpi eq, %eq3A_257, %iota3A_256 : vector<10000x10xi32>
    %convert_element_type3A_259 = arith.extui %eq3A_258 : vector<10000x10xi1> to vector<10000x10xi32>
    %convert_element_type3A_260 = arith.sitofp %convert_element_type3A_259 : vector<10000x10xi32> to vector<10000x10xf32>
    %get3A_261 = arith.constant 3 : index
    %get3A_262 = arith.constant 0 : index
    %get3A_263 = arith.constant 0 : index
    %get3A_264 = vector.load %arg0[%get3A_261, %get3A_262, %get3A_263] : memref<4x10x128xf32, #tpu.memory_space<vmem>>, vector<1x10x128xf32>
    %get3A_265 = vector.shape_cast %get3A_264 : vector<1x10x128xf32> to vector<10x128xf32>
    %convert_element_type3A_266 = arith.truncf %get3A_265 : vector<10x128xf32> to vector<10x128xbf16>
    %convert_element_type3A_267 = arith.extf %convert_element_type3A_266 : vector<10x128xbf16> to vector<10x128xf32>
    %dot_general3A_268 = arith.constant dense<0.000000e+00> : vector<10000x128xf32>
    %dot_general3A_269 = tpu.matmul %convert_element_type3A_260, %convert_element_type3A_267, %dot_general3A_268 {dimension_numbers = #tpu.dot_dimension_numbers<[1], [0], [0], [1], [0, 0, 1, 1], [], []>, transpose_lhs_hint = false} : vector<10000x10xf32>, vector<10x128xf32>, vector<10000x128xf32> -> vector<10000x128xf32>
    %add3A_270 = arith.addf %add3A_202, %dot_general3A_269 : vector<10000x128xf32>
    %sub3A_271 = arith.subf %get3A_265, %convert_element_type3A_267 : vector<10x128xf32>
    %dot_general3A_272 = arith.constant dense<0.000000e+00> : vector<10000x128xf32>
    %dot_general3A_273 = tpu.matmul %convert_element_type3A_260, %sub3A_271, %dot_general3A_272 {dimension_numbers = #tpu.dot_dimension_numbers<[1], [0], [0], [1], [0, 0, 1, 1], [], []>, transpose_lhs_hint = false} : vector<10000x10xf32>, vector<10x128xf32>, vector<10000x128xf32> -> vector<10000x128xf32>
    %add3A_274 = arith.addf %add3A_270, %dot_general3A_273 : vector<10000x128xf32>
    %swap3A = arith.constant 0 : index
    %swap3A_275 = arith.constant 0 : index
    %swap3A_276 = vector.load %arg1[%swap3A, %swap3A_275] : memref<10000x128xf32, #tpu.memory_space<vmem>>, vector<10000x128xf32>
    tpu.vector_store %arg1[%swap3A, %swap3A_275], %add3A_274 {strides = array<i32>} : memref<10000x128xf32, #tpu.memory_space<vmem>>, vector<10000x128xf32>,
    return
  }
}

</mosaic_0001>

<sc_bundles>
// kernel: kernel.5.cloned.1.call-start
scs
__scs_entry_jumppad:
0x0: {  	(pc) =	sbr.rel $0x88, $3  }
0x1: {  	(tag) =	ssettag $0x0;
	lr =	simm.s32 $0x1  }
0x2: {  	[smem:$0x3F9F] =	sst lr;
	_ =	strace $0xD0000000  }
0x3: {  	_ = 	snop  }
0x4: {  	_ = 	snop  }
0x5: {  	_ = 	snop  }
0x6: {  	_ = 	snop  }
0x7: {  	_ = 	snop  }
__scs_overlays_trampoline_lowered:
0x8: {  	[smem:$0x3FAE] =	sst s0  }
0x9: {  	[smem:$0x3FAF] =	sst s1  }
0xa: {  	[smem:$0x3FB0] =	sst s2  }
0xb: {  	[smem:$0x3FB1] =	sst s3  }
0xc: {  	[smem:$0x3FB2] =	sst s4  }
0xd: {  	[smem:$0x3FB3] =	sst s5  }
0xe: {  	[smem:$0x3FB4] =	sst s6  }
0xf: {  	[smem:$0x3FB5] =	sst s7  }
0x10: {  	[smem:$0x3FB6] =	sst s8  }
0x11: {  	[smem:$0x3FB7] =	sst s9;
	s0 =	simm.s32 @!p0 $0x0  }
0x12: {  	s1 =	sld [smem:$0x3F9D];
	s0 =	simm.s32 @p0 $0x1  }
0x13: {  	[smem:$0x3FB8] =	sst s0;
	s0 =	simm.s32 @!p1 $0x0  }
0x14: {  	s2 =	sld [smem:$0x3F9C];
	s0 =	simm.s32 @p1 $0x1  }
0x15: {  	[smem:$0x3FB9] =	sst s0;
	s0 =	simm.s32 @!p2 $0x0  }
0x16: {  	s3 =	sld [smem:$0x3FDB];
	s0 =	simm.s32 @p2 $0x1  }
0x17: {  	s4 =	simm.s32 $0x1BF5;
	[smem:$0x3FBB] =	sst s0  }
0x18: {  	s0 =	sld [smem:$0x3F9E];
	_ =	swait.ge [sflag:s4], $0x0  }
0x19: {  	s7 =	sld [smem:$0x3F9F]  }
0x1a: {  	s8 =	sadd.s32 $0xFFFFE003, lr  }
0x1b: {  	s9 =	sadd.s32 $0xFFFFFEF7, lr;
	s5 =	simm.s32 $0xFFFFFFFF;
	p2 =	slt.u32 s8, $0xFFFFF086  }
0x1c: {  	p1 =	slt.u32 s9, $0xF7A;
	s5 =	simm.s32 @!p2 $0x0  }
0x1d: {  	s5 =	simm.s32 @p1 $0x1;
	p0 =	seq.s32 s7, s2  }
0x1e: {  	s7 =	smul.u32 @!p0 $0xF7A, s2;
	p2 =	seq.s32 @!p0 s5, $0x0  }
0x1f: {  	s9 =	smul.u32 $0xF7A, s1;
	s8 =	simm.s32 @!p0 $0x1BF5;
	p2 =	por !p2, p0  }
0x20: {  	[sflag:s8] =	ssyncset.s32 @!p0 $0xFFFFF086;
	s6 =	sadd.s32 @!p0 s3, s7;
	s7 =	simm.s32 @!p0 $0x108  }
0x21: {  	s3 =	sadd.s32 s3, s9;
	s6 =	sadd.s32 @!p0 $0x88, s6;
	s7 =	simm.s32 @p2 $0x1082  }
0x22: {  	[simem:s7], [sflag:s8] =	dma.local @!p0 [hbm:s6], $0xF7A  }
0x23: {  	s9 =	sor.u32 $0xD0000000, s2;
	s6 =	simm.s32 $0x108;
	_ =	swait.ge @!p0 [sflag:s8], $0x0  }
0x24: {  	s3 =	sadd.s32 $0x88, s3;
	s6 =	simm.s32 @!p1 $0x1082;
	[sflag:s4] =	ssyncset.s32 $0xFFFFF086  }
0x25: {  	[simem:s6], [sflag:s4] =	dma.local [hbm:s3], $0xF7A  }
0x26: {  	[smem:$0x3F9F] =	sst s1;
	(tag) =	ssettag s2;
	_ =	strace s9  }
0x27: {  	s1 =	sld [smem:$0x3FAF]  }
0x28: {  	s2 =	sld [smem:$0x3FB0]  }
0x29: {  	s4 =	sld [smem:$0x3FB2]  }
0x2a: {  	p0 =	seq.s32 s5, $0x0;
	s5 =	sld [smem:$0x3FB3]  }
0x2b: {  	s6 =	sld [smem:$0x3FB4]  }
0x2c: {  	s7 =	sld [smem:$0x3FB5]  }
0x2d: {  	s3 =	simm.s32 $0x108;
	s8 =	sld [smem:$0x3FB6]  }
0x2e: {  	s3 =	simm.s32 @!p0 $0x1082;
	s9 =	sld [smem:$0x3FB7]  }
0x2f: {  	lr =	sadd.s32 s0, s3;
	s0 =	sld [smem:$0x3FAE]  }
0x30: {  	s3 =	sld [smem:$0x3FB1]  }
0x31: {  	[smem:$0x3FBA] =	sst s10  }
0x32: {  	s10 =	sld [smem:$0x3FB8];
	_ =	sdelay $0x3  }
0x33: {  	p0 =	seq.s32 s10, $0x1;
	s10 =	sld [smem:$0x3FBA];
	_ =	sdelay $0x3  }
0x34: {  	[smem:$0x3FBA] =	sst s10  }
0x35: {  	s10 =	sld [smem:$0x3FB9];
	_ =	sdelay $0x3  }
0x36: {  	p1 =	seq.s32 s10, $0x1;
	s10 =	sld [smem:$0x3FBA];
	_ =	sdelay $0x3  }
0x37: {  	[smem:$0x3FBA] =	sst s10  }
0x38: {  	s10 =	sld [smem:$0x3FBB]  }
0x39: {  	_ = 	snop;
	(pc) =	sbr.ind lr, $3  }
0x3a: {  	_ = 	snop  }
0x3b: {  	_ = 	snop  }
0x3c: {  	p2 =	seq.s32 s10, $0x1;
	s10 =	sld [smem:$0x3FBA]  }
0x3d: {  	_ =	shalt  }
0x3e: {  	_ =	shalt  }
0x3f: {  	_ =	shalt  }
0x40: {  	_ =	shalt  }
0x41: {  	_ =	shalt  }
0x42: {  	_ =	shalt  }
0x43: {  	_ =	shalt  }
0x44: {  	_ =	shalt  }
0x45: {  	_ =	shalt  }
0x46: {  	_ =	shalt  }
0x47: {  	_ =	shalt  }
0x48: {  	_ =	shalt  }
0x49: {  	_ =	shalt  }
0x4a: {  	_ =	shalt  }
0x4b: {  	_ =	shalt  }
0x4c: {  	_ =	shalt  }
0x4d: {  	_ =	shalt  }
0x4e: {  	_ =	shalt  }
0x4f: {  	_ =	shalt  }
0x50: {  	_ =	shalt  }
0x51: {  	_ =	shalt  }
0x52: {  	_ =	shalt  }
0x53: {  	_ =	shalt  }
0x54: {  	_ =	shalt  }
0x55: {  	_ =	shalt  }
0x56: {  	_ =	shalt  }
0x57: {  	_ =	shalt  }
0x58: {  	_ =	shalt  }
0x59: {  	_ =	shalt  }
0x5a: {  	_ =	shalt  }
0x5b: {  	_ =	shalt  }
0x5c: {  	_ =	shalt  }
0x5d: {  	_ =	shalt  }
0x5e: {  	_ =	shalt  }
0x5f: {  	_ =	shalt  }
0x60: {  	_ =	shalt  }
0x61: {  	_ =	shalt  }
0x62: {  	_ =	shalt  }
0x63: {  	_ =	shalt  }
0x64: {  	_ =	shalt  }
0x65: {  	_ =	shalt  }
0x66: {  	_ =	shalt  }
0x67: {  	_ =	shalt  }
0x68: {  	_ =	shalt  }
0x69: {  	_ =	shalt  }
0x6a: {  	_ =	shalt  }
0x6b: {  	_ =	shalt  }
0x6c: {  	_ =	shalt  }
0x6d: {  	_ =	shalt  }
0x6e: {  	_ =	shalt  }
0x6f: {  	_ =	shalt  }
0x70: {  	_ =	shalt  }
0x71: {  	_ =	shalt  }
0x72: {  	_ =	shalt  }
0x73: {  	_ =	shalt  }
0x74: {  	_ =	shalt  }
0x75: {  	_ =	shalt  }
0x76: {  	_ =	shalt  }
0x77: {  	_ =	shalt  }
0x78: {  	_ =	shalt  }
0x79: {  	_ =	shalt  }
0x7a: {  	_ =	shalt  }
0x7b: {  	_ =	shalt  }
0x7c: {  	_ =	shalt  }
0x7d: {  	_ =	shalt  }
0x7e: {  	_ =	shalt  }
0x7f: {  	_ =	shalt  }
0x80: {  	_ =	shalt  }
0x81: {  	_ =	shalt  }
0x82: {  	_ =	shalt  }
0x83: {  	_ =	shalt  }
0x84: {  	_ =	shalt  }
0x85: {  	_ =	shalt  }
0x86: {  	_ =	shalt  }
0x87: {  	_ =	shalt  }
.Lfunc_end0:
.L_simem_size_0:
called_computation_lowered:
.L_overlay_start_0:
0x88: {  	s2 =	sld [smem:$0x3FD9]  }
0x89: {  	s3 =	sld [smem:$0x3FFE];
	_ =	sdelay $0x1  }
0x8a: {  	s1 =	srdreg.scid  }
0x8b: {  	s0 =	sand.u32 $0x1, s1  }
0x8c: {  	s17 =	sshll.u32 s0, $0xA;
	s2 =	sadd.s32 s3, s2  }
0x8d: {  	s2 =	sadd.s32 s2, s17  }
0x8e: {  	[smem:$0x3FC6] =	sst s2  }
0x8f: {  	_ = 	snop  }
0x90: {  	s2 =	sld [smem:$0x3FD0];
	(tm) =	ssettm $0x1  }
0x91: {  	s18 =	sld [smem:$0x3FFB];
	_ =	sdelay $0x3  }
0x92: {  	_ =	strace s18  }
0x93: {  	s3 =	sld [smem:$0x3FFC];
	_ =	sdelay $0x3  }
0x94: {  	_ =	strace s3  }
0x95: {  	s3 =	sld [smem:$0x3FFD];
	_ =	sdelay $0x3  }
0x96: {  	_ =	strace s3  }
0x97: {  	_ =	strace $0x8FFFFFFF  }
0x98: {  	s19 =	sld [smem:$0x3FDB];
	_ =	sdelay $0x1  }
0x99: {  	s4 =	simm.s32 $_scs_section_size  }
0x9a: {  	s5 =	simm.s32 $_size__tile_overlayer_lowered;
	s6 =	simm.s32 $_tile_overlayer_lowered  }
0x9b: {  	s22 =	simm.s32 $0x1BFF;
	s21 =	sshll.u32 s6, $0x1;
	s3 =	sadd.s32 s4, s19  }
0x9c: {  	s7 =	simm.s32 $0x0;
	s20 =	sshll.u32 s5, $0x1;
	s5 =	sadd.s32 s21, s3  }
0x9d: {  	[timem:s7], [sflag:s22] =	dma.local [hbm:s5], s20  }
0x9e: {  	_ =	swait.ge [sflag:s22], s20  }
0x9f: {  	s4 =	ssub.s32 $0x0, s20;
	[sflag:s22] =	ssyncset.done $0x0  }
0xa0: {  	[sflag:s22] =	ssyncadd.s32 s4;
	_ =	sdelay $0x1  }
0xa1: {  	s23 =	simm.s32 $0x1B8B  }
0xa2: {  	_ =	swait.ge [sflag:s23], $0x1  }
0xa3: {  	[sflag:s23] =	ssyncset.done $0x0  }
0xa4: {  	s25 =	simm.s32 $0x1B8E;
	s24 =	sld [smem:$0x3FFE];
	[sflag:s23] =	ssyncadd.s32 $0xFFFFFFFF  }
0xa5: {  	s26 =	simm.s32 $execute0_lowered;
	[smem:$0x3FD2] =	sst s25  }
0xa6: {  	s5 =	sshll.u32 s26, $0x1;
	_ =	strace $0x80000046;
	[dreg:$0x1] =	wrdreg $0xFFFFFFFF  }
0xa7: {  	s28 =	simm.s32 $_size_execute0_lowered;
	s3 =	sadd.s32 s3, s5;
	[dreg:$0x0] =	wrdreg $0x0  }
0xa8: {  	s5 =	sshll.u32 s28, $0x1;
	[dreg:$0x2] =	wrdreg s3  }
0xa9: {  	[dreg:$0x3] =	wrdreg s5  }
0xaa: {  	[dreg:$0x4] =	wrdreg $0xC0  }
0xab: {  	_ =	task [dreg:s7], $0x5FFFF  }
0xac: {  	[dreg:$0x1] =	wrdreg $0xFFFFFFFF  }
0xad: {  	[dreg:$0x0] =	wrdreg $0x60  }
0xae: {  	[dreg:$0x2] =	wrdreg s24  }
0xaf: {  	[dreg:$0x3] =	wrdreg s2  }
0xb0: {  	[dreg:$0x4] =	wrdreg $0x9  }
0xb1: {  	_ =	task.clear_ibuf [dreg:s7], $0x5FFFF;
	_ =	strace $0x90000046  }
0xb2: {  	s29 =	simm.s32 $0x9;
	_ =	strace $0x80000048  }
0xb3: {  	_ =	swait.ge [sflag:s29], $0x1  }
0xb4: {  	[sflag:s29] =	ssyncadd.s32 $0xFFFFFFFF  }
0xb5: {  	_ =	strace $0x90000048  }
0xb6: {  	_ =	sfence  }
0xb7: {  	s30 =	sld [smem:$0x0];
	_ =	sdelay $0x2  }
0xb8: {  	s31 =	sshll.u32 s1, $0xD;
	s1 =	sshrl.u32 s1, $0x2  }
0xb9: {  	s3 =	sand.u32 $0x4000, s31;
	s1 =	sadd.s32 s1, s30  }
0xba: {  	s0 =	sor.u32 s3, s0;
	s1 =	sshll.u32 s1, $0x11  }
0xbb: {  	s0 =	sor.u32 s1, s0  }
0xbc: {  	s0 =	sadd.s32 $0x8F2B, s0  }
0xbd: {  	[sflag:s0] =	ssyncadd.remote.s32 $0x1  }
0xbe: {  	_ =	sfence.sel $0xFFFF  }
0xbf: {  	[dreg:$0x0] =	wrdreg $0xFFFFFFFF;
	(pc) =	sbr.abs _section_cstart, $3  }
0xc0: {  	[dreg:$0x1] =	wrdreg $0xFFFFFFFF  }
0xc1: {  	_ =	task.clear_ibuf [dreg:s7], $0x2FFFF;
	_ =	strace $0x9FFFFFFF  }
0xc2: {  	(tm) =	ssettm $0x7FFFFFFF  }
0xc3: {  	_ =	shalt  }
tec
execute0_lowered:
.L_overlay_start_1:
0x0: {  	(tag) =	ssettag $0x1  }
0x1: {  	s0 =	rddreg [dreg:$0x0]  }
0x2: {  	s1 =	rddreg [dreg:$0x1];
	s3 =	srdreg.scid;
	s2 =	simm.s32 $0x0  }
0x3: {  	s9 =	stileid.u32;
	s15 =	simm.s32 $0x9;
	s16 =	simm.s32 $0x80  }
0x4: {  	s17 =	simm.s32 $0x4000;
	s18 =	simm.s32 $0x8000;
	s20 =	simm.s32 $0xC000  }
0x5: {  	s21 =	simm.s32 $0x1;
	s28 =	simm.s32 $0x3;
	s29 =	simm.s32 $0x6  }
0x6: {  	s31 =	simm.s32 $0x4;
	s10 =	sand.u32 $0x1, s3;
	[smem:$0x7FF] =	sst s2  }
0x7: {  	s23 =	sshll.u32 s9, $0xF;
	s3 =	sadd.s32 $0x800, s0;
	s26 =	sshll.u32 s9, $0x13  }
0x8: {  	s4 =	sshll.u32 s10, $0xE;
	_ =	strace $0x80000047;
	s5 =	ssub.s32 $0x2, s10  }
0x9: {  	s30 =	sshll.u32 s10, $0x12;
	s4 =	sor.u32 s4, s23;
	s7 =	sshrl.u32 s5, $0x1  }
0xa: {  	s23 =	simm.s32 $0x10000;
	s6 =	sshrl.u32 s4, $0x3;
	s25 =	sshll.u32 s4, $0x4  }
0xb: {  	s24 =	ssub.s32 s5, s7;
	s0 =	sadd.s32 s6, s0;
	s5 =	sadd.s32 s1, s25  }
0xc: {  	s6 =	smax.u32 s24, $0x1;
	s24 =	simm.s32 $0x2;
	s25 =	simm.s32 $0x5  }
0xd: {  	s0 =	sadd.s32 $0x27A00, s0;
	s7 =	sadd.s32 $0x800, s5;
	s8 =	sadd.s32 $0x1000, s5  }
0xe: {  	s9 =	sadd.s32 $0x1800, s5;
	s10 =	sadd.s32 $0x3E000, s5;
	s11 =	sadd.s32 $0x3E800, s5  }
0xf: {  	s12 =	sadd.s32 $0x3F000, s5;
	[dreg:$0x3] =	wrdreg s0;
	s0 =	sadd.s32 s26, s1  }
0x10: {  	s13 =	sadd.s32 $0x3F800, s5;
	s1 =	simm.s32 $0x8;
	s0 =	sadd.s32 s30, s0  }
0x11: {  	s26 =	simm.s32 $0x0;
	s14 =	sadd.s32 $0x2000, s0;
	s0 =	simm.s32 $0x7  }
.LBB2_1:
0x12: {  	s4 =	rddreg [dreg:$0x3]  }
0x13: {  	[tilespmem:s2], [sflag:$0x9] =	stream.linear.gather [hbm4b:s4+s2], $0x4000, $0x38;
	[tilespmem:$0x14000] =	vst v63  }
0x14: {  	_ =	swait.ge [sflag:s15], $0x4000  }
0x15: {  	[sflag:s15] =	ssyncset.done $0x0  }
0x16: {  	[sflag:s15] =	ssyncadd.s32 $0xFFFFC000  }
0x17: {  	[tilespmem:s17], [sflag:$0x1] =	stream.indirect.gather [hbm4b:s3+s16], $0x80, s2, s16, $0xb8;
	[tilespmem:$0x14000] =	vst v63  }
0x18: {  	_ = 	snop  }
0x19: {  	[tilespmem:s18], [sflag:$0x2] =	stream.indirect.gather [hbm4b:s3+s16], $0x80, s16, s16, $0xb8;
	[tilespmem:$0x14000] =	vst v63  }
0x1a: {  	s22 =	simm.s32 $0x100  }
0x1b: {  	[tilespmem:s20], [sflag:$0x3] =	stream.indirect.gather [hbm4b:s3+s16], $0x80, s22, s16, $0xb8;
	[tilespmem:$0x14000] =	vst v63  }
0x1c: {  	_ =	swait.ge [sflag:s21], $0x4000  }
0x1d: {  	[sflag:s21] =	ssyncset.done $0x0  }
0x1e: {  	[sflag:s21] =	ssyncadd.s32 $0xFFFFC000  }
0x1f: {  	[hbm4b:s5+s2] =	stream.linear.scatter [tilespmem:s17], [sflag:$0x5], $0x4000, $0x38;
	[tilespmem:$0x14000] =	vst v63  }
0x20: {  	s19 =	simm.s32 $0x180  }
0x21: {  	[tilespmem:s23], [sflag:$0x4] =	stream.indirect.gather [hbm4b:s3+s16], $0x80, s19, s16, $0xb8;
	[tilespmem:$0x14000] =	vst v63  }
0x22: {  	_ =	swait.ge [sflag:s24], $0x4000  }
0x23: {  	[sflag:s24] =	ssyncset.done $0x0  }
0x24: {  	[sflag:s24] =	ssyncadd.s32 $0xFFFFC000  }
0x25: {  	[hbm4b:s7+s2] =	stream.linear.scatter [tilespmem:s18], [sflag:$0x6], $0x4000, $0x38;
	[tilespmem:$0x14000] =	vst v63  }
0x26: {  	_ =	swait.ge [sflag:s25], $0x4000  }
0x27: {  	[sflag:s25] =	ssyncset.done $0x0  }
0x28: {  	s22 =	simm.s32 $0x200;
	[sflag:s25] =	ssyncadd.s32 $0xFFFFC000  }
0x29: {  	[tilespmem:s17], [sflag:$0x1] =	stream.indirect.gather [hbm4b:s3+s16], $0x80, s22, s16, $0xb8;
	[tilespmem:$0x14000] =	vst v63  }
0x2a: {  	_ =	swait.ge [sflag:s28], $0x4000  }
0x2b: {  	[sflag:s28] =	ssyncset.done $0x0  }
0x2c: {  	[sflag:s28] =	ssyncadd.s32 $0xFFFFC000  }
0x2d: {  	[hbm4b:s8+s2] =	stream.linear.scatter [tilespmem:s20], [sflag:$0x7], $0x4000, $0x38;
	[tilespmem:$0x14000] =	vst v63  }
0x2e: {  	_ =	swait.ge [sflag:s29], $0x4000  }
0x2f: {  	[sflag:s29] =	ssyncset.done $0x0  }
0x30: {  	s19 =	simm.s32 $0x280;
	[sflag:s29] =	ssyncadd.s32 $0xFFFFC000  }
0x31: {  	[tilespmem:s18], [sflag:$0x2] =	stream.indirect.gather [hbm4b:s3+s16], $0x80, s19, s16, $0xb8;
	[tilespmem:$0x14000] =	vst v63  }
0x32: {  	_ =	swait.ge [sflag:s31], $0x4000  }
0x33: {  	[sflag:s31] =	ssyncset.done $0x0  }
0x34: {  	[sflag:s31] =	ssyncadd.s32 $0xFFFFC000  }
0x35: {  	[hbm4b:s9+s2] =	stream.linear.scatter [tilespmem:s23], [sflag:$0x8], $0x4000, $0x38;
	[tilespmem:$0x14000] =	vst v63  }
0x36: {  	_ =	swait.ge [sflag:s0], $0x4000  }
0x37: {  	[sflag:s0] =	ssyncset.done $0x0  }
0x38: {  	s19 =	simm.s32 $0x300;
	[sflag:s0] =	ssyncadd.s32 $0xFFFFC000  }
0x39: {  	[tilespmem:s20], [sflag:$0x3] =	stream.indirect.gather [hbm4b:s3+s16], $0x80, s19, s16, $0xb8;
	[tilespmem:$0x14000] =	vst v63  }
0x3a: {  	_ =	swait.ge [sflag:s21], $0x4000  }
0x3b: {  	[sflag:s21] =	ssyncset.done $0x0  }
0x3c: {  	[sflag:s21] =	ssyncadd.s32 $0xFFFFC000  }
0x3d: {  	[hbm4b:s14+s2] =	stream.linear.scatter [tilespmem:s17], [sflag:$0x5], $0x4000, $0x38;
	[tilespmem:$0x14000] =	vst v63  }
0x3e: {  	_ =	swait.ge [sflag:s1], $0x4000  }
0x3f: {  	[sflag:s1] =	ssyncset.done $0x0  }
0x40: {  	s22 =	simm.s32 $0x380;
	[sflag:s1] =	ssyncadd.s32 $0xFFFFC000  }
0x41: {  	[tilespmem:s23], [sflag:$0x4] =	stream.indirect.gather [hbm4b:s3+s16], $0x80, s22, s16, $0xb8;
	[tilespmem:$0x14000] =	vst v63  }
0x42: {  	_ =	swait.ge [sflag:s24], $0x4000  }
0x43: {  	[sflag:s24] =	ssyncset.done $0x0  }
0x44: {  	s4 =	sadd.s32 $0x800, s14;
	[sflag:s24] =	ssyncadd.s32 $0xFFFFC000  }
0x45: {  	[hbm4b:s4+s2] =	stream.linear.scatter [tilespmem:s18], [sflag:$0x6], $0x4000, $0x38;
	[tilespmem:$0x14000] =	vst v63  }
0x46: {  	_ =	swait.ge [sflag:s25], $0x4000  }
0x47: {  	[sflag:s25] =	ssyncset.done $0x0  }
0x48: {  	s22 =	simm.s32 $0x400;
	[sflag:s25] =	ssyncadd.s32 $0xFFFFC000  }
0x49: {  	[tilespmem:s17], [sflag:$0x1] =	stream.indirect.gather [hbm4b:s3+s16], $0x80, s22, s16, $0xb8;
	[tilespmem:$0x14000] =	vst v63  }
0x4a: {  	_ =	swait.ge [sflag:s28], $0x4000  }
0x4b: {  	[sflag:s28] =	ssyncset.done $0x0  }
0x4c: {  	s4 =	sadd.s32 $0x1000, s14;
	[sflag:s28] =	ssyncadd.s32 $0xFFFFC000  }
0x4d: {  	[hbm4b:s4+s2] =	stream.linear.scatter [tilespmem:s20], [sflag:$0x7], $0x4000, $0x38;
	[tilespmem:$0x14000] =	vst v63  }
0x4e: {  	_ =	swait.ge [sflag:s29], $0x4000  }
0x4f: {  	[sflag:s29] =	ssyncset.done $0x0  }
0x50: {  	s22 =	simm.s32 $0x480;
	[sflag:s29] =	ssyncadd.s32 $0xFFFFC000  }
0x51: {  	[tilespmem:s18], [sflag:$0x2] =	stream.indirect.gather [hbm4b:s3+s16], $0x80, s22, s16, $0xb8;
	[tilespmem:$0x14000] =	vst v63  }
0x52: {  	_ =	swait.ge [sflag:s31], $0x4000  }
0x53: {  	s30 =	simm.s32 $0x800;
	[sflag:s31] =	ssyncset.done $0x0  }
0x54: {  	s19 =	sadd.s32 $0x2000, s14;
	s22 =	sadd.s32 $0x1800, s14;
	[sflag:s31] =	ssyncadd.s32 $0xFFFFC000  }
.LBB2_2:
0x55: {  	[hbm4b:s22+s2] =	stream.linear.scatter [tilespmem:s23], [sflag:$0x8], $0x4000, $0x38;
	[tilespmem:$0x14000] =	vst v63  }
0x56: {  	s22 =	smov.u32 s30  }
0x57: {  	p0 =	sne.s32 s30, $0xE800;
	s30 =	sadd.s32 $0x800, s30;
	_ =	swait.ge [sflag:s0], $0x4000  }
0x58: {  	s22 =	sshra.s32 s22, $0x2;
	[sflag:s0] =	ssyncset.done $0x0  }
0x59: {  	s4 =	sadd.s32 $0x300, s22;
	[sflag:s0] =	ssyncadd.s32 $0xFFFFC000  }
0x5a: {  	[tilespmem:s20], [sflag:$0x3] =	stream.indirect.gather [hbm4b:s3+s16], $0x80, s4, s16, $0xb8;
	[tilespmem:$0x14000] =	vst v63  }
0x5b: {  	_ =	swait.ge [sflag:s21], $0x4000  }
0x5c: {  	[sflag:s21] =	ssyncset.done $0x0  }
0x5d: {  	[sflag:s21] =	ssyncadd.s32 $0xFFFFC000  }
0x5e: {  	[hbm4b:s19+s2] =	stream.linear.scatter [tilespmem:s17], [sflag:$0x5], $0x4000, $0x38;
	[tilespmem:$0x14000] =	vst v63  }
0x5f: {  	_ =	swait.ge [sflag:s1], $0x4000  }
0x60: {  	[sflag:s1] =	ssyncset.done $0x0  }
0x61: {  	s4 =	sadd.s32 $0x380, s22;
	[sflag:s1] =	ssyncadd.s32 $0xFFFFC000  }
0x62: {  	[tilespmem:s23], [sflag:$0x4] =	stream.indirect.gather [hbm4b:s3+s16], $0x80, s4, s16, $0xb8;
	[tilespmem:$0x14000] =	vst v63  }
0x63: {  	_ =	swait.ge [sflag:s24], $0x4000  }
0x64: {  	[sflag:s24] =	ssyncset.done $0x0  }
0x65: {  	s4 =	sadd.s32 $0x800, s19;
	[sflag:s24] =	ssyncadd.s32 $0xFFFFC000  }
0x66: {  	[hbm4b:s4+s2] =	stream.linear.scatter [tilespmem:s18], [sflag:$0x6], $0x4000, $0x38;
	[tilespmem:$0x14000] =	vst v63  }
0x67: {  	_ =	swait.ge [sflag:s25], $0x4000  }
0x68: {  	[sflag:s25] =	ssyncset.done $0x0  }
0x69: {  	s4 =	sadd.s32 $0x400, s22;
	[sflag:s25] =	ssyncadd.s32 $0xFFFFC000  }
0x6a: {  	[tilespmem:s17], [sflag:$0x1] =	stream.indirect.gather [hbm4b:s3+s16], $0x80, s4, s16, $0xb8;
	[tilespmem:$0x14000] =	vst v63  }
0x6b: {  	_ =	swait.ge [sflag:s28], $0x4000  }
0x6c: {  	[sflag:s28] =	ssyncset.done $0x0  }
0x6d: {  	s4 =	sadd.s32 $0x1000, s19;
	[sflag:s28] =	ssyncadd.s32 $0xFFFFC000  }
0x6e: {  	[hbm4b:s4+s2] =	stream.linear.scatter [tilespmem:s20], [sflag:$0x7], $0x4000, $0x38;
	[tilespmem:$0x14000] =	vst v63  }
0x6f: {  	_ =	swait.ge [sflag:s29], $0x4000  }
0x70: {  	[sflag:s29] =	ssyncset.done $0x0  }
.Ltmp0:
0x71: {  	s4 =	sadd.s32 $0x480, s22;
	[sflag:s29] =	ssyncadd.s32 $0xFFFFC000;
	(pc) =	sbr.rel @p0 .LBB2_2-.Ltmp0, $4  }
0x72: {  	[tilespmem:s18], [sflag:$0x2] =	stream.indirect.gather [hbm4b:s3+s16], $0x80, s4, s16, $0xb8;
	[tilespmem:$0x14000] =	vst v63  }
0x73: {  	_ =	swait.ge [sflag:s31], $0x4000  }
0x74: {  	[sflag:s31] =	ssyncset.done $0x0  }
0x75: {  	s22 =	sadd.s32 $0x1800, s19;
	s19 =	sadd.s32 $0x2000, s19;
	[sflag:s31] =	ssyncadd.s32 $0xFFFFC000  }
0x76: {  	[hbm4b:s22+s2] =	stream.linear.scatter [tilespmem:s23], [sflag:$0x8], $0x4000, $0x38;
	[tilespmem:$0x14000] =	vst v63  }
0x77: {  	_ =	swait.ge [sflag:s0], $0x4000  }
0x78: {  	[sflag:s0] =	ssyncset.done $0x0  }
0x79: {  	s4 =	simm.s32 $0x3F00;
	[sflag:s0] =	ssyncadd.s32 $0xFFFFC000  }
0x7a: {  	[tilespmem:s20], [sflag:$0x3] =	stream.indirect.gather [hbm4b:s3+s16], $0x80, s4, s16, $0xb8;
	[tilespmem:$0x14000] =	vst v63  }
0x7b: {  	_ =	swait.ge [sflag:s21], $0x4000  }
0x7c: {  	[sflag:s21] =	ssyncset.done $0x0  }
0x7d: {  	[sflag:s21] =	ssyncadd.s32 $0xFFFFC000  }
0x7e: {  	[hbm4b:s10+s2] =	stream.linear.scatter [tilespmem:s17], [sflag:$0x5], $0x4000, $0x38;
	[tilespmem:$0x14000] =	vst v63  }
0x7f: {  	_ =	swait.ge [sflag:s1], $0x4000  }
0x80: {  	[sflag:s1] =	ssyncset.done $0x0  }
0x81: {  	s30 =	simm.s32 $0x3F80;
	[sflag:s1] =	ssyncadd.s32 $0xFFFFC000  }
0x82: {  	[tilespmem:s23], [sflag:$0x4] =	stream.indirect.gather [hbm4b:s3+s16], $0x80, s30, s16, $0xb8;
	[tilespmem:$0x14000] =	vst v63  }
0x83: {  	_ =	swait.ge [sflag:s24], $0x4000  }
0x84: {  	[sflag:s24] =	ssyncset.done $0x0  }
0x85: {  	[sflag:s24] =	ssyncadd.s32 $0xFFFFC000  }
0x86: {  	[hbm4b:s11+s2] =	stream.linear.scatter [tilespmem:s18], [sflag:$0x6], $0x4000, $0x38;
	[tilespmem:$0x14000] =	vst v63  }
0x87: {  	_ =	swait.ge [sflag:s25], $0x4000  }
0x88: {  	[sflag:s25] =	ssyncset.done $0x0  }
0x89: {  	[sflag:s25] =	ssyncadd.s32 $0xFFFFC000  }
0x8a: {  	_ =	swait.ge [sflag:s28], $0x4000  }
0x8b: {  	[sflag:s28] =	ssyncset.done $0x0  }
0x8c: {  	[sflag:s28] =	ssyncadd.s32 $0xFFFFC000  }
0x8d: {  	[hbm4b:s12+s2] =	stream.linear.scatter [tilespmem:s20], [sflag:$0x7], $0x4000, $0x38;
	[tilespmem:$0x14000] =	vst v63  }
0x8e: {  	_ =	swait.ge [sflag:s29], $0x4000  }
0x8f: {  	[sflag:s29] =	ssyncset.done $0x0  }
0x90: {  	[sflag:s29] =	ssyncadd.s32 $0xFFFFC000  }
0x91: {  	_ =	swait.ge [sflag:s31], $0x4000  }
0x92: {  	[sflag:s31] =	ssyncset.done $0x0  }
0x93: {  	s26 =	sadd.s32 $0x1, s26;
	[sflag:s31] =	ssyncadd.s32 $0xFFFFC000  }
0x94: {  	[hbm4b:s13+s2] =	stream.linear.scatter [tilespmem:s23], [sflag:$0x8], $0x4000, $0x38;
	[tilespmem:$0x14000] =	vst v63  }
0x95: {  	p0 =	sne.s32 s26, s6;
	_ =	swait.ge [sflag:s0], $0x4000  }
.Ltmp1:
0x96: {  	[sflag:s0] =	ssyncset.done $0x0;
	(pc) =	sbr.rel @p0 .LBB2_1-.Ltmp1, $4  }
0x97: {  	[sflag:s0] =	ssyncadd.s32 $0xFFFFC000  }
0x98: {  	_ =	swait.ge [sflag:s1], $0x4000  }
0x99: {  	[sflag:s1] =	ssyncset.done $0x0  }
0x9a: {  	[sflag:s1] =	ssyncadd.s32 $0xFFFFC000  }
0x9b: {  	_ =	sfence.sel $0x180000  }
0x9c: {  	[bflag:$0x0] =	sbarrier.arrive $0xFFFF  }
0x9d: {  	_ =	strace $0x90000047  }
0x9e: {  	s0 =	stileid.u32;
	[bflag:$0x2] =	sbarrier.arrive $0xFFFF  }
0x9f: {  	p0 =	sne.s32 s0, $0x0;
	s0 =	rddreg [dreg:$0x2]  }
0xa0: {  	s0 =	sadd.s32 @!p0 $0x100000, s0  }
0xa1: {  	[sflag:s0] =	ssyncadd.tile.s32 @!p0 $0x1;
	_ =	shalt  }
.Lfunc_end2:
_tile_overlayer_lowered:
.L_overlay_start_2:
0xa2: {  	(tag) =	ssettag $0x2  }
0xa3: {  	s0 =	rddreg [dreg:$0x0];
	s2 =	stileid.u32  }
0xa4: {  	s1 =	rddreg [dreg:$0x1];
	p0 =	sne.s32 s2, $0x0  }
0xa5: {  	s3 =	rddreg [dreg:$0x2];
	[bflag:$0x3] =	sbarrier.arrive $0xFFFF;
	s2 =	simm.s32 @!p0 $0x1C09  }
0xa6: {  	[timem:s3], [sflag:s2] =	dma.local @!p0 [hbm:s0], s1  }
0xa7: {  	s0 =	simm.s32 @!p0 $0x9  }
0xa8: {  	_ =	swait.ge @!p0 [sflag:s0], s1  }
0xa9: {  	s1 =	ssub.s32 @!p0 $0x0, s1;
	[sflag:s0] =	ssyncset.done @!p0 $0x0  }
0xaa: {  	[sflag:s0] =	ssyncadd.s32 @!p0 s1  }
0xab: {  	[bflag:$0x3] =	sbarrier.arrive $0xFFFF  }
0xac: {  	_ =	shalt  }

</sc_bundles>
